<compile_context>
chip_gen: v7x
topology: tpu7x:2x2x1
jax: 0.10.2.dev20260603
libtpu: 0.0.44.dev20260713+nightly
codegen_flags: <defaults>
</compile_context>

<pallas_src>
import functools

import jax
import jax.numpy as jnp
from jax import lax
from jax.experimental import pallas as pl
from jax.experimental.pallas import tpu as pltpu
from jax.experimental.pallas import tpu_sc as plsc

_NC = 2
_NS = 16
_NW = _NC * _NS
_R = 8
_CW = 2048
_L = 16


def _sc_body(x_hbm, pos_hbm, o_hbm, ibuf0, ibuf1, obuf0, obuf1, pos_v,
             psem, isem0, isem1, osem0, osem1):
    wid = lax.axis_index("s") * _NC + lax.axis_index("c")
    rows_w = x_hbm.shape[0] // _NW
    base = wid * rows_w
    row_len = x_hbm.shape[1]
    splits = row_len // _CW
    n_chunks = (rows_w // _R) * splits
    nv = _CW // _L

    pltpu.async_copy(pos_hbm.at[pl.ds(base, rows_w)], pos_v, psem).wait()

    ibufs = (ibuf0, ibuf1)
    obufs = (obuf0, obuf1)
    isems = (isem0, isem1)
    osems = (osem0, osem1)

    def rc(g):
        return base + lax.div(g, splits) * _R, lax.rem(g, splits) * _CW

    def in_copy(g, slot):
        r0, c0 = rc(g)
        return pltpu.make_async_copy(
            x_hbm.at[pl.ds(r0, _R), pl.ds(c0, _CW)], ibufs[slot], isems[slot]
        )

    def out_copy(g, slot):
        r0, c0 = rc(g)
        return pltpu.make_async_copy(
            obufs[slot], o_hbm.at[pl.ds(r0, _R), pl.ds(c0, _CW)], osems[slot]
        )

    in_copy(0, 0).start()
    in_copy(1, 1).start()

    def do_chunk(g, slot):
        ibuf, obuf = ibufs[slot], obufs[slot]
        in_copy(g, slot).wait()

        @pl.when(g >= 2)
        def _():
            out_copy(g - 2, slot).wait()

        prow = lax.div(g, splits) * _R
        for r in range(_R):
            pv = pos_v[prow + r, :]

            @plsc.parallel_loop(0, nv, 1, unroll=8)
            def _add_row(j, r=r, pv=pv, ibuf=ibuf, obuf=obuf):
                sl = pl.ds(j * _L, _L)
                obuf[r, sl] = ibuf[r, sl] + pv

        out_copy(g, slot).start()

        @pl.when(g + 2 < n_chunks)
        def _():
            in_copy(g + 2, slot).start()

    def pair(g2, carry):
        do_chunk(g2, 0)
        do_chunk(g2 + 1, 1)
        return carry

    lax.fori_loop(0, n_chunks // 2, lambda k, c: pair(k * 2, c), 0)

    out_copy(n_chunks - 2, 0).wait()
    out_copy(n_chunks - 1, 1).wait()


def kernel(x, pos_emb):
    B, S, D = x.shape
    xt = jnp.transpose(x, (1, 2, 0)).reshape(S * D, B)
    pos_flat = jnp.broadcast_to(pos_emb.reshape(S * D, 1), (S * D, _L))
    mesh = plsc.VectorSubcoreMesh(core_axis_name="c", subcore_axis_name="s")
    f = functools.partial(
        pl.kernel,
        mesh=mesh,
        out_type=jax.ShapeDtypeStruct((S * D, B), x.dtype),
        scratch_types=[
            pltpu.VMEM((_R, _CW), x.dtype),
            pltpu.VMEM((_R, _CW), x.dtype),
            pltpu.VMEM((_R, _CW), x.dtype),
            pltpu.VMEM((_R, _CW), x.dtype),
            pltpu.VMEM((S * D // _NW, _L), x.dtype),
            pltpu.SemaphoreType.DMA,
            pltpu.SemaphoreType.DMA,
            pltpu.SemaphoreType.DMA,
            pltpu.SemaphoreType.DMA,
            pltpu.SemaphoreType.DMA,
        ],
    )(_sc_body)
    out_t = f(xt, pos_flat)
    return jnp.transpose(out_t.reshape(S, D, B), (2, 0, 1))

# --- scband reference (transcript-rebuilt; emitter-appended) ---
"""Pipeline reference for scband-position-embedding-13297218748551 (READ-ONLY COPY).

The authoritative reference and input builder live on the scoring server;
editing this copy changes nothing except your own understanding.
"""

import jax, jax.numpy as jnp
import numpy as np

MAX_LEN = 200
EMBED_DIM = 64

def setup_inputs(seed: int = 0) -> dict:
    key = jax.random.key(seed)
    k1, k2 = jax.random.split(key)
    x = jax.random.normal(k1, (4096, 200, 64), dtype=jnp.float32)
    # glorot_uniform init for pos_emb table [max_len, embed_dim]
    limit = np.sqrt(6.0 / (MAX_LEN + EMBED_DIM))
    pos_emb = jax.random.uniform(k2, (MAX_LEN, EMBED_DIM), dtype=jnp.float32, minval=-limit, maxval=limit)
    return {"x": x, "pos_emb": pos_emb}

def reference(x, pos_emb):
    seq_len = x.shape[1]
    positions = jnp.arange(0, seq_len, dtype=jnp.int32)
    pos = jnp.take(pos_emb, positions, axis=0)  # embedding lookup [seq_len, embed_dim]
    return x + pos[None, :, :]

if __name__ == "__main__":
    import jax
    _d = setup_inputs()
    print(jax.jit(kernel)(*tuple(_d.values())))

</pallas_src>

<mosaic_0001>
#map = affine_map<(d0, d1) -> (0, 0)>
module attributes {stable_mosaic.version = 14 : i64} {
  func.func @_sc_body(%arg0: i32, %arg1: i32, %arg2: memref<12800x4096xf32, #tpu.memory_space<hbm>>, %arg3: memref<12800x16xf32, #tpu.memory_space<hbm>>, %arg4: memref<12800x4096xf32, #tpu.memory_space<hbm>>, %arg5: memref<8x2048xf32, #tpu.memory_space<vmem>>, %arg6: memref<8x2048xf32, #tpu.memory_space<vmem>>, %arg7: memref<8x2048xf32, #tpu.memory_space<vmem>>, %arg8: memref<8x2048xf32, #tpu.memory_space<vmem>>, %arg9: memref<400x16xf32, #tpu.memory_space<vmem>>, %arg10: memref<!tpu.dma_semaphore, #tpu.memory_space<semaphore_mem>>, %arg11: memref<!tpu.dma_semaphore, #tpu.memory_space<semaphore_mem>>, %arg12: memref<!tpu.dma_semaphore, #tpu.memory_space<semaphore_mem>>, %arg13: memref<!tpu.dma_semaphore, #tpu.memory_space<semaphore_mem>>, %arg14: memref<!tpu.dma_semaphore, #tpu.memory_space<semaphore_mem>>) attributes {dimension_semantics = [#tpu.dimension_semantics<core_parallel>, #tpu.dimension_semantics<subcore_parallel>], iteration_bounds = array<i64: 2, 16>, scalar_prefetch = 0 : i64, scratch_operands = 10 : i64, tpu.core_type = #tpu.core_type<sc_vector_subcore>, window_params = [{transform_indices = #map}, {transform_indices = #map}, {transform_indices = #map}]} {
    %mul3A = arith.constant 2 : i32
    %mul3A_0 = arith.muli %arg1, %mul3A : i32
    %add3A = arith.addi %mul3A_0, %arg0 : i32
    %mul3A_1 = arith.constant 400 : i32
    %mul3A_2 = arith.muli %add3A, %mul3A_1 : i32
    %dma_start3A = arith.constant 0 : i32
    %dma_start3A_3 = tpu.memref_slice %arg3[%mul3A_2, %dma_start3A] : memref<12800x16xf32, #tpu.memory_space<hbm>> -> memref<400x16xf32, #tpu.memory_space<hbm>>
    %dma_start3A_4 = arith.constant 0 : i32
    %dma_start3A_5 = tpu.memref_slice %arg3[%mul3A_2, %dma_start3A_4] : memref<12800x16xf32, #tpu.memory_space<hbm>> -> memref<400x16xf32, #tpu.memory_space<hbm>>
    tpu.enqueue_dma source(%dma_start3A_5 : memref<400x16xf32, #tpu.memory_space<hbm>>) target(%arg9 : memref<400x16xf32, #tpu.memory_space<vmem>>) target_semaphore(%arg10 : memref<!tpu.dma_semaphore, #tpu.memory_space<semaphore_mem>>)
    %dma_wait3A = arith.constant 0 : i32
    %dma_wait3A_6 = tpu.memref_slice %arg3[%mul3A_2, %dma_wait3A] : memref<12800x16xf32, #tpu.memory_space<hbm>> -> memref<400x16xf32, #tpu.memory_space<hbm>>
    %dma_wait3A_7 = arith.constant 0 : i32
    %dma_wait3A_8 = tpu.memref_slice %arg3[%mul3A_2, %dma_wait3A_7] : memref<12800x16xf32, #tpu.memory_space<hbm>> -> memref<400x16xf32, #tpu.memory_space<hbm>>
    tpu.wait_dma2 semaphore(%arg10 : memref<!tpu.dma_semaphore, #tpu.memory_space<semaphore_mem>>) src(%dma_wait3A_8 : memref<400x16xf32, #tpu.memory_space<hbm>>) dst(%arg9 : memref<400x16xf32, #tpu.memory_space<vmem>>)
    %div3A = arith.constant 0 : i32
    %div3A_9 = arith.constant 2 : i32
    %div3A_10 = arith.divsi %div3A, %div3A_9 : i32
    %mul3A_11 = arith.constant 8 : i32
    %mul3A_12 = arith.muli %div3A_10, %mul3A_11 : i32
    %add3A_13 = arith.addi %mul3A_2, %mul3A_12 : i32
    %rem3A = arith.constant 0 : i32
    %rem3A_14 = arith.constant 2 : i32
    %rem3A_15 = arith.remsi %rem3A, %rem3A_14 : i32
    %mul3A_16 = arith.constant 2048 : i32
    %mul3A_17 = arith.muli %rem3A_15, %mul3A_16 : i32
    %dma_start3A_18 = tpu.memref_slice %arg2[%add3A_13, %mul3A_17] : memref<12800x4096xf32, #tpu.memory_space<hbm>> -> memref<8x2048xf32, #tpu.memory_space<hbm>>
    %dma_start3A_19 = tpu.memref_slice %arg2[%add3A_13, %mul3A_17] : memref<12800x4096xf32, #tpu.memory_space<hbm>> -> memref<8x2048xf32, #tpu.memory_space<hbm>>
    tpu.enqueue_dma source(%dma_start3A_19 : memref<8x2048xf32, #tpu.memory_space<hbm>>) target(%arg5 : memref<8x2048xf32, #tpu.memory_space<vmem>>) target_semaphore(%arg11 : memref<!tpu.dma_semaphore, #tpu.memory_space<semaphore_mem>>)
    %div3A_20 = arith.constant 1 : i32
    %div3A_21 = arith.constant 2 : i32
    %div3A_22 = arith.divsi %div3A_20, %div3A_21 : i32
    %mul3A_23 = arith.constant 8 : i32
    %mul3A_24 = arith.muli %div3A_22, %mul3A_23 : i32
    %add3A_25 = arith.addi %mul3A_2, %mul3A_24 : i32
    %rem3A_26 = arith.constant 1 : i32
    %rem3A_27 = arith.constant 2 : i32
    %rem3A_28 = arith.remsi %rem3A_26, %rem3A_27 : i32
    %mul3A_29 = arith.constant 2048 : i32
    %mul3A_30 = arith.muli %rem3A_28, %mul3A_29 : i32
    %dma_start3A_31 = tpu.memref_slice %arg2[%add3A_25, %mul3A_30] : memref<12800x4096xf32, #tpu.memory_space<hbm>> -> memref<8x2048xf32, #tpu.memory_space<hbm>>
    %dma_start3A_32 = tpu.memref_slice %arg2[%add3A_25, %mul3A_30] : memref<12800x4096xf32, #tpu.memory_space<hbm>> -> memref<8x2048xf32, #tpu.memory_space<hbm>>
    tpu.enqueue_dma source(%dma_start3A_32 : memref<8x2048xf32, #tpu.memory_space<hbm>>) target(%arg6 : memref<8x2048xf32, #tpu.memory_space<vmem>>) target_semaphore(%arg12 : memref<!tpu.dma_semaphore, #tpu.memory_space<semaphore_mem>>)
    %scan3A = arith.constant 0 : i32
    %scan3A_33 = arith.constant 0 : i32
    %scan3A_34 = arith.constant 50 : i32
    %scan3A_35 = arith.addi %scan3A_33, %scan3A_34 : i32
    %scan3A_36 = arith.constant 1 : i32
    scf.for %scan3A_64 = %scan3A_33 to %scan3A_35 step %scan3A_36  : i32 {
      %mul3A_65 = arith.constant 2 : i32
      %mul3A_66 = arith.muli %scan3A_64, %mul3A_65 : i32
      %div3A_67 = arith.constant 2 : i32
      %div3A_68 = arith.divsi %mul3A_66, %div3A_67 : i32
      %mul3A_69 = arith.constant 8 : i32
      %mul3A_70 = arith.muli %div3A_68, %mul3A_69 : i32
      %add3A_71 = arith.addi %mul3A_2, %mul3A_70 : i32
      %rem3A_72 = arith.constant 2 : i32
      %rem3A_73 = arith.remsi %mul3A_66, %rem3A_72 : i32
      %mul3A_74 = arith.constant 2048 : i32
      %mul3A_75 = arith.muli %rem3A_73, %mul3A_74 : i32
      %dma_wait3A_76 = tpu.memref_slice %arg2[%add3A_71, %mul3A_75] : memref<12800x4096xf32, #tpu.memory_space<hbm>> -> memref<8x2048xf32, #tpu.memory_space<hbm>>
      %dma_wait3A_77 = tpu.memref_slice %arg2[%add3A_71, %mul3A_75] : memref<12800x4096xf32, #tpu.memory_space<hbm>> -> memref<8x2048xf32, #tpu.memory_space<hbm>>
      tpu.wait_dma2 semaphore(%arg11 : memref<!tpu.dma_semaphore, #tpu.memory_space<semaphore_mem>>) src(%dma_wait3A_77 : memref<8x2048xf32, #tpu.memory_space<hbm>>) dst(%arg5 : memref<8x2048xf32, #tpu.memory_space<vmem>>)
      %ge3A = arith.constant 2 : i32
      %ge3A_78 = arith.cmpi sge, %mul3A_66, %ge3A : i32
      %convert_element_type3A = arith.extui %ge3A_78 : i1 to i32
      %cond3A = arith.constant 0 : i32
      %cond3A_79 = arith.cmpi ne, %convert_element_type3A, %cond3A : i32
      scf.if %cond3A_79 {
        %sub3A = arith.constant 2 : i32
        %sub3A_283 = arith.subi %mul3A_66, %sub3A : i32
        %div3A_284 = arith.constant 2 : i32
        %div3A_285 = arith.divsi %sub3A_283, %div3A_284 : i32
        %mul3A_286 = arith.constant 8 : i32
        %mul3A_287 = arith.muli %div3A_285, %mul3A_286 : i32
        %add3A_288 = arith.addi %mul3A_2, %mul3A_287 : i32
        %rem3A_289 = arith.constant 2 : i32
        %rem3A_290 = arith.remsi %sub3A_283, %rem3A_289 : i32
        %mul3A_291 = arith.constant 2048 : i32
        %mul3A_292 = arith.muli %rem3A_290, %mul3A_291 : i32
        %dma_wait3A_293 = tpu.memref_slice %arg4[%add3A_288, %mul3A_292] : memref<12800x4096xf32, #tpu.memory_space<hbm>> -> memref<8x2048xf32, #tpu.memory_space<hbm>>
        %dma_wait3A_294 = tpu.memref_slice %arg4[%add3A_288, %mul3A_292] : memref<12800x4096xf32, #tpu.memory_space<hbm>> -> memref<8x2048xf32, #tpu.memory_space<hbm>>
        tpu.wait_dma2 semaphore(%arg13 : memref<!tpu.dma_semaphore, #tpu.memory_space<semaphore_mem>>) src(%arg7 : memref<8x2048xf32, #tpu.memory_space<vmem>>) dst(%dma_wait3A_294 : memref<8x2048xf32, #tpu.memory_space<hbm>>)
      } else {
      }
      %div3A_80 = arith.constant 2 : i32
      %div3A_81 = arith.divsi %mul3A_66, %div3A_80 : i32
      %mul3A_82 = arith.constant 8 : i32
      %mul3A_83 = arith.muli %div3A_81, %mul3A_82 : i32
      %add3A_84 = arith.constant 0 : i32
      %add3A_85 = arith.addi %mul3A_83, %add3A_84 : i32
      %get3A = arith.index_cast %add3A_85 : i32 to index
      %get3A_86 = arith.constant 0 : index
      %get3A_87 = tpu.vector_load %arg9[%get3A, %get3A_86] {strides = array<i32>} : memref<400x16xf32, #tpu.memory_space<vmem>>, vector<1x16xf32>,
      %get3A_88 = vector.shape_cast %get3A_87 : vector<1x16xf32> to vector<16xf32>
      %parallel_loop3A = arith.constant 0 : i32
      %parallel_loop3A_89 = arith.constant 128 : i32
      %parallel_loop3A_90 = arith.constant 1 : i32
      scf.for %parallel_loop3A_283 = %parallel_loop3A to %parallel_loop3A_89 step %parallel_loop3A_90  : i32 {
        %parallel_loop3A_284 = arith.constant 16 : i32
        %parallel_loop3A_285 = arith.muli %parallel_loop3A_283, %parallel_loop3A_284 : i32
        %parallel_loop3A_286 = arith.constant 0 : i32
        %parallel_loop3A_287 = arith.index_cast %parallel_loop3A_286 : i32 to index
        %parallel_loop3A_288 = arith.index_cast %parallel_loop3A_285 : i32 to index
        %parallel_loop3A_289 = tpu.vector_load %arg5[%parallel_loop3A_287, %parallel_loop3A_288] {strides = array<i32>} : memref<8x2048xf32, #tpu.memory_space<vmem>>, vector<1x16xf32>,
        %parallel_loop3A_290 = vector.shape_cast %parallel_loop3A_289 : vector<1x16xf32> to vector<16xf32>
        %parallel_loop3A_291 = arith.addf %parallel_loop3A_290, %get3A_88 : vector<16xf32>
        %parallel_loop3A_292 = arith.constant 0 : i32
        %parallel_loop3A_293 = arith.index_cast %parallel_loop3A_292 : i32 to index
        %parallel_loop3A_294 = arith.index_cast %parallel_loop3A_285 : i32 to index
        %parallel_loop3A_295 = tpu.vector_load %arg7[%parallel_loop3A_293, %parallel_loop3A_294] {strides = array<i32>} : memref<8x2048xf32, #tpu.memory_space<vmem>>, vector<1x16xf32>,
        %parallel_loop3A_296 = vector.shape_cast %parallel_loop3A_295 : vector<1x16xf32> to vector<16xf32>
        %parallel_loop3A_297 = vector.shape_cast %parallel_loop3A_291 : vector<16xf32> to vector<1x16xf32>
        tpu.vector_store %arg7[%parallel_loop3A_293, %parallel_loop3A_294], %parallel_loop3A_297 {strides = array<i32>} : memref<8x2048xf32, #tpu.memory_space<vmem>>, vector<1x16xf32>,
      } {sc.loop_unroll_factor = 8 : i64, sc.parallel_access}
      %add3A_91 = arith.constant 1 : i32
      %add3A_92 = arith.addi %mul3A_83, %add3A_91 : i32
      %get3A_93 = arith.index_cast %add3A_92 : i32 to index
      %get3A_94 = arith.constant 0 : index
      %get3A_95 = tpu.vector_load %arg9[%get3A_93, %get3A_94] {strides = array<i32>} : memref<400x16xf32, #tpu.memory_space<vmem>>, vector<1x16xf32>,
      %get3A_96 = vector.shape_cast %get3A_95 : vector<1x16xf32> to vector<16xf32>
      %parallel_loop3A_97 = arith.constant 0 : i32
      %parallel_loop3A_98 = arith.constant 128 : i32
      %parallel_loop3A_99 = arith.constant 1 : i32
      scf.for %parallel_loop3A_283 = %parallel_loop3A_97 to %parallel_loop3A_98 step %parallel_loop3A_99  : i32 {
        %parallel_loop3A_284 = arith.constant 16 : i32
        %parallel_loop3A_285 = arith.muli %parallel_loop3A_283, %parallel_loop3A_284 : i32
        %parallel_loop3A_286 = arith.constant 1 : i32
        %parallel_loop3A_287 = arith.index_cast %parallel_loop3A_286 : i32 to index
        %parallel_loop3A_288 = arith.index_cast %parallel_loop3A_285 : i32 to index
        %parallel_loop3A_289 = tpu.vector_load %arg5[%parallel_loop3A_287, %parallel_loop3A_288] {strides = array<i32>} : memref<8x2048xf32, #tpu.memory_space<vmem>>, vector<1x16xf32>,
        %parallel_loop3A_290 = vector.shape_cast %parallel_loop3A_289 : vector<1x16xf32> to vector<16xf32>
        %parallel_loop3A_291 = arith.addf %parallel_loop3A_290, %get3A_96 : vector<16xf32>
        %parallel_loop3A_292 = arith.constant 1 : i32
        %parallel_loop3A_293 = arith.index_cast %parallel_loop3A_292 : i32 to index
        %parallel_loop3A_294 = arith.index_cast %parallel_loop3A_285 : i32 to index
        %parallel_loop3A_295 = tpu.vector_load %arg7[%parallel_loop3A_293, %parallel_loop3A_294] {strides = array<i32>} : memref<8x2048xf32, #tpu.memory_space<vmem>>, vector<1x16xf32>,
        %parallel_loop3A_296 = vector.shape_cast %parallel_loop3A_295 : vector<1x16xf32> to vector<16xf32>
        %parallel_loop3A_297 = vector.shape_cast %parallel_loop3A_291 : vector<16xf32> to vector<1x16xf32>
        tpu.vector_store %arg7[%parallel_loop3A_293, %parallel_loop3A_294], %parallel_loop3A_297 {strides = array<i32>} : memref<8x2048xf32, #tpu.memory_space<vmem>>, vector<1x16xf32>,
      } {sc.loop_unroll_factor = 8 : i64, sc.parallel_access}
      %add3A_100 = arith.constant 2 : i32
      %add3A_101 = arith.addi %mul3A_83, %add3A_100 : i32
      %get3A_102 = arith.index_cast %add3A_101 : i32 to index
      %get3A_103 = arith.constant 0 : index
      %get3A_104 = tpu.vector_load %arg9[%get3A_102, %get3A_103] {strides = array<i32>} : memref<400x16xf32, #tpu.memory_space<vmem>>, vector<1x16xf32>,
      %get3A_105 = vector.shape_cast %get3A_104 : vector<1x16xf32> to vector<16xf32>
      %parallel_loop3A_106 = arith.constant 0 : i32
      %parallel_loop3A_107 = arith.constant 128 : i32
      %parallel_loop3A_108 = arith.constant 1 : i32
      scf.for %parallel_loop3A_283 = %parallel_loop3A_106 to %parallel_loop3A_107 step %parallel_loop3A_108  : i32 {
        %parallel_loop3A_284 = arith.constant 16 : i32
        %parallel_loop3A_285 = arith.muli %parallel_loop3A_283, %parallel_loop3A_284 : i32
        %parallel_loop3A_286 = arith.constant 2 : i32
        %parallel_loop3A_287 = arith.index_cast %parallel_loop3A_286 : i32 to index
        %parallel_loop3A_288 = arith.index_cast %parallel_loop3A_285 : i32 to index
        %parallel_loop3A_289 = tpu.vector_load %arg5[%parallel_loop3A_287, %parallel_loop3A_288] {strides = array<i32>} : memref<8x2048xf32, #tpu.memory_space<vmem>>, vector<1x16xf32>,
        %parallel_loop3A_290 = vector.shape_cast %parallel_loop3A_289 : vector<1x16xf32> to vector<16xf32>
        %parallel_loop3A_291 = arith.addf %parallel_loop3A_290, %get3A_105 : vector<16xf32>
        %parallel_loop3A_292 = arith.constant 2 : i32
        %parallel_loop3A_293 = arith.index_cast %parallel_loop3A_292 : i32 to index
        %parallel_loop3A_294 = arith.index_cast %parallel_loop3A_285 : i32 to index
        %parallel_loop3A_295 = tpu.vector_load %arg7[%parallel_loop3A_293, %parallel_loop3A_294] {strides = array<i32>} : memref<8x2048xf32, #tpu.memory_space<vmem>>, vector<1x16xf32>,
        %parallel_loop3A_296 = vector.shape_cast %parallel_loop3A_295 : vector<1x16xf32> to vector<16xf32>
        %parallel_loop3A_297 = vector.shape_cast %parallel_loop3A_291 : vector<16xf32> to vector<1x16xf32>
        tpu.vector_store %arg7[%parallel_loop3A_293, %parallel_loop3A_294], %parallel_loop3A_297 {strides = array<i32>} : memref<8x2048xf32, #tpu.memory_space<vmem>>, vector<1x16xf32>,
      } {sc.loop_unroll_factor = 8 : i64, sc.parallel_access}
      %add3A_109 = arith.constant 3 : i32
      %add3A_110 = arith.addi %mul3A_83, %add3A_109 : i32
      %get3A_111 = arith.index_cast %add3A_110 : i32 to index
      %get3A_112 = arith.constant 0 : index
      %get3A_113 = tpu.vector_load %arg9[%get3A_111, %get3A_112] {strides = array<i32>} : memref<400x16xf32, #tpu.memory_space<vmem>>, vector<1x16xf32>,
      %get3A_114 = vector.shape_cast %get3A_113 : vector<1x16xf32> to vector<16xf32>
      %parallel_loop3A_115 = arith.constant 0 : i32
      %parallel_loop3A_116 = arith.constant 128 : i32
      %parallel_loop3A_117 = arith.constant 1 : i32
      scf.for %parallel_loop3A_283 = %parallel_loop3A_115 to %parallel_loop3A_116 step %parallel_loop3A_117  : i32 {
        %parallel_loop3A_284 = arith.constant 16 : i32
        %parallel_loop3A_285 = arith.muli %parallel_loop3A_283, %parallel_loop3A_284 : i32
        %parallel_loop3A_286 = arith.constant 3 : i32
        %parallel_loop3A_287 = arith.index_cast %parallel_loop3A_286 : i32 to index
        %parallel_loop3A_288 = arith.index_cast %parallel_loop3A_285 : i32 to index
        %parallel_loop3A_289 = tpu.vector_load %arg5[%parallel_loop3A_287, %parallel_loop3A_288] {strides = array<i32>} : memref<8x2048xf32, #tpu.memory_space<vmem>>, vector<1x16xf32>,
        %parallel_loop3A_290 = vector.shape_cast %parallel_loop3A_289 : vector<1x16xf32> to vector<16xf32>
        %parallel_loop3A_291 = arith.addf %parallel_loop3A_290, %get3A_114 : vector<16xf32>
        %parallel_loop3A_292 = arith.constant 3 : i32
        %parallel_loop3A_293 = arith.index_cast %parallel_loop3A_292 : i32 to index
        %parallel_loop3A_294 = arith.index_cast %parallel_loop3A_285 : i32 to index
        %parallel_loop3A_295 = tpu.vector_load %arg7[%parallel_loop3A_293, %parallel_loop3A_294] {strides = array<i32>} : memref<8x2048xf32, #tpu.memory_space<vmem>>, vector<1x16xf32>,
        %parallel_loop3A_296 = vector.shape_cast %parallel_loop3A_295 : vector<1x16xf32> to vector<16xf32>
        %parallel_loop3A_297 = vector.shape_cast %parallel_loop3A_291 : vector<16xf32> to vector<1x16xf32>
        tpu.vector_store %arg7[%parallel_loop3A_293, %parallel_loop3A_294], %parallel_loop3A_297 {strides = array<i32>} : memref<8x2048xf32, #tpu.memory_space<vmem>>, vector<1x16xf32>,
      } {sc.loop_unroll_factor = 8 : i64, sc.parallel_access}
      %add3A_118 = arith.constant 4 : i32
      %add3A_119 = arith.addi %mul3A_83, %add3A_118 : i32
      %get3A_120 = arith.index_cast %add3A_119 : i32 to index
      %get3A_121 = arith.constant 0 : index
      %get3A_122 = tpu.vector_load %arg9[%get3A_120, %get3A_121] {strides = array<i32>} : memref<400x16xf32, #tpu.memory_space<vmem>>, vector<1x16xf32>,
      %get3A_123 = vector.shape_cast %get3A_122 : vector<1x16xf32> to vector<16xf32>
      %parallel_loop3A_124 = arith.constant 0 : i32
      %parallel_loop3A_125 = arith.constant 128 : i32
      %parallel_loop3A_126 = arith.constant 1 : i32
      scf.for %parallel_loop3A_283 = %parallel_loop3A_124 to %parallel_loop3A_125 step %parallel_loop3A_126  : i32 {
        %parallel_loop3A_284 = arith.constant 16 : i32
        %parallel_loop3A_285 = arith.muli %parallel_loop3A_283, %parallel_loop3A_284 : i32
        %parallel_loop3A_286 = arith.constant 4 : i32
        %parallel_loop3A_287 = arith.index_cast %parallel_loop3A_286 : i32 to index
        %parallel_loop3A_288 = arith.index_cast %parallel_loop3A_285 : i32 to index
        %parallel_loop3A_289 = tpu.vector_load %arg5[%parallel_loop3A_287, %parallel_loop3A_288] {strides = array<i32>} : memref<8x2048xf32, #tpu.memory_space<vmem>>, vector<1x16xf32>,
        %parallel_loop3A_290 = vector.shape_cast %parallel_loop3A_289 : vector<1x16xf32> to vector<16xf32>
        %parallel_loop3A_291 = arith.addf %parallel_loop3A_290, %get3A_123 : vector<16xf32>
        %parallel_loop3A_292 = arith.constant 4 : i32
        %parallel_loop3A_293 = arith.index_cast %parallel_loop3A_292 : i32 to index
        %parallel_loop3A_294 = arith.index_cast %parallel_loop3A_285 : i32 to index
        %parallel_loop3A_295 = tpu.vector_load %arg7[%parallel_loop3A_293, %parallel_loop3A_294] {strides = array<i32>} : memref<8x2048xf32, #tpu.memory_space<vmem>>, vector<1x16xf32>,
        %parallel_loop3A_296 = vector.shape_cast %parallel_loop3A_295 : vector<1x16xf32> to vector<16xf32>
        %parallel_loop3A_297 = vector.shape_cast %parallel_loop3A_291 : vector<16xf32> to vector<1x16xf32>
        tpu.vector_store %arg7[%parallel_loop3A_293, %parallel_loop3A_294], %parallel_loop3A_297 {strides = array<i32>} : memref<8x2048xf32, #tpu.memory_space<vmem>>, vector<1x16xf32>,
      } {sc.loop_unroll_factor = 8 : i64, sc.parallel_access}
      %add3A_127 = arith.constant 5 : i32
      %add3A_128 = arith.addi %mul3A_83, %add3A_127 : i32
      %get3A_129 = arith.index_cast %add3A_128 : i32 to index
      %get3A_130 = arith.constant 0 : index
      %get3A_131 = tpu.vector_load %arg9[%get3A_129, %get3A_130] {strides = array<i32>} : memref<400x16xf32, #tpu.memory_space<vmem>>, vector<1x16xf32>,
      %get3A_132 = vector.shape_cast %get3A_131 : vector<1x16xf32> to vector<16xf32>
      %parallel_loop3A_133 = arith.constant 0 : i32
      %parallel_loop3A_134 = arith.constant 128 : i32
      %parallel_loop3A_135 = arith.constant 1 : i32
      scf.for %parallel_loop3A_283 = %parallel_loop3A_133 to %parallel_loop3A_134 step %parallel_loop3A_135  : i32 {
        %parallel_loop3A_284 = arith.constant 16 : i32
        %parallel_loop3A_285 = arith.muli %parallel_loop3A_283, %parallel_loop3A_284 : i32
        %parallel_loop3A_286 = arith.constant 5 : i32
        %parallel_loop3A_287 = arith.index_cast %parallel_loop3A_286 : i32 to index
        %parallel_loop3A_288 = arith.index_cast %parallel_loop3A_285 : i32 to index
        %parallel_loop3A_289 = tpu.vector_load %arg5[%parallel_loop3A_287, %parallel_loop3A_288] {strides = array<i32>} : memref<8x2048xf32, #tpu.memory_space<vmem>>, vector<1x16xf32>,
        %parallel_loop3A_290 = vector.shape_cast %parallel_loop3A_289 : vector<1x16xf32> to vector<16xf32>
        %parallel_loop3A_291 = arith.addf %parallel_loop3A_290, %get3A_132 : vector<16xf32>
        %parallel_loop3A_292 = arith.constant 5 : i32
        %parallel_loop3A_293 = arith.index_cast %parallel_loop3A_292 : i32 to index
        %parallel_loop3A_294 = arith.index_cast %parallel_loop3A_285 : i32 to index
        %parallel_loop3A_295 = tpu.vector_load %arg7[%parallel_loop3A_293, %parallel_loop3A_294] {strides = array<i32>} : memref<8x2048xf32, #tpu.memory_space<vmem>>, vector<1x16xf32>,
        %parallel_loop3A_296 = vector.shape_cast %parallel_loop3A_295 : vector<1x16xf32> to vector<16xf32>
        %parallel_loop3A_297 = vector.shape_cast %parallel_loop3A_291 : vector<16xf32> to vector<1x16xf32>
        tpu.vector_store %arg7[%parallel_loop3A_293, %parallel_loop3A_294], %parallel_loop3A_297 {strides = array<i32>} : memref<8x2048xf32, #tpu.memory_space<vmem>>, vector<1x16xf32>,
      } {sc.loop_unroll_factor = 8 : i64, sc.parallel_access}
      %add3A_136 = arith.constant 6 : i32
      %add3A_137 = arith.addi %mul3A_83, %add3A_136 : i32
      %get3A_138 = arith.index_cast %add3A_137 : i32 to index
      %get3A_139 = arith.constant 0 : index
      %get3A_140 = tpu.vector_load %arg9[%get3A_138, %get3A_139] {strides = array<i32>} : memref<400x16xf32, #tpu.memory_space<vmem>>, vector<1x16xf32>,
      %get3A_141 = vector.shape_cast %get3A_140 : vector<1x16xf32> to vector<16xf32>
      %parallel_loop3A_142 = arith.constant 0 : i32
      %parallel_loop3A_143 = arith.constant 128 : i32
      %parallel_loop3A_144 = arith.constant 1 : i32
      scf.for %parallel_loop3A_283 = %parallel_loop3A_142 to %parallel_loop3A_143 step %parallel_loop3A_144  : i32 {
        %parallel_loop3A_284 = arith.constant 16 : i32
        %parallel_loop3A_285 = arith.muli %parallel_loop3A_283, %parallel_loop3A_284 : i32
        %parallel_loop3A_286 = arith.constant 6 : i32
        %parallel_loop3A_287 = arith.index_cast %parallel_loop3A_286 : i32 to index
        %parallel_loop3A_288 = arith.index_cast %parallel_loop3A_285 : i32 to index
        %parallel_loop3A_289 = tpu.vector_load %arg5[%parallel_loop3A_287, %parallel_loop3A_288] {strides = array<i32>} : memref<8x2048xf32, #tpu.memory_space<vmem>>, vector<1x16xf32>,
        %parallel_loop3A_290 = vector.shape_cast %parallel_loop3A_289 : vector<1x16xf32> to vector<16xf32>
        %parallel_loop3A_291 = arith.addf %parallel_loop3A_290, %get3A_141 : vector<16xf32>
        %parallel_loop3A_292 = arith.constant 6 : i32
        %parallel_loop3A_293 = arith.index_cast %parallel_loop3A_292 : i32 to index
        %parallel_loop3A_294 = arith.index_cast %parallel_loop3A_285 : i32 to index
        %parallel_loop3A_295 = tpu.vector_load %arg7[%parallel_loop3A_293, %parallel_loop3A_294] {strides = array<i32>} : memref<8x2048xf32, #tpu.memory_space<vmem>>, vector<1x16xf32>,
        %parallel_loop3A_296 = vector.shape_cast %parallel_loop3A_295 : vector<1x16xf32> to vector<16xf32>
        %parallel_loop3A_297 = vector.shape_cast %parallel_loop3A_291 : vector<16xf32> to vector<1x16xf32>
        tpu.vector_store %arg7[%parallel_loop3A_293, %parallel_loop3A_294], %parallel_loop3A_297 {strides = array<i32>} : memref<8x2048xf32, #tpu.memory_space<vmem>>, vector<1x16xf32>,
      } {sc.loop_unroll_factor = 8 : i64, sc.parallel_access}
      %add3A_145 = arith.constant 7 : i32
      %add3A_146 = arith.addi %mul3A_83, %add3A_145 : i32
      %get3A_147 = arith.index_cast %add3A_146 : i32 to index
      %get3A_148 = arith.constant 0 : index
      %get3A_149 = tpu.vector_load %arg9[%get3A_147, %get3A_148] {strides = array<i32>} : memref<400x16xf32, #tpu.memory_space<vmem>>, vector<1x16xf32>,
      %get3A_150 = vector.shape_cast %get3A_149 : vector<1x16xf32> to vector<16xf32>
      %parallel_loop3A_151 = arith.constant 0 : i32
      %parallel_loop3A_152 = arith.constant 128 : i32
      %parallel_loop3A_153 = arith.constant 1 : i32
      scf.for %parallel_loop3A_283 = %parallel_loop3A_151 to %parallel_loop3A_152 step %parallel_loop3A_153  : i32 {
        %parallel_loop3A_284 = arith.constant 16 : i32
        %parallel_loop3A_285 = arith.muli %parallel_loop3A_283, %parallel_loop3A_284 : i32
        %parallel_loop3A_286 = arith.constant 7 : i32
        %parallel_loop3A_287 = arith.index_cast %parallel_loop3A_286 : i32 to index
        %parallel_loop3A_288 = arith.index_cast %parallel_loop3A_285 : i32 to index
        %parallel_loop3A_289 = tpu.vector_load %arg5[%parallel_loop3A_287, %parallel_loop3A_288] {strides = array<i32>} : memref<8x2048xf32, #tpu.memory_space<vmem>>, vector<1x16xf32>,
        %parallel_loop3A_290 = vector.shape_cast %parallel_loop3A_289 : vector<1x16xf32> to vector<16xf32>
        %parallel_loop3A_291 = arith.addf %parallel_loop3A_290, %get3A_150 : vector<16xf32>
        %parallel_loop3A_292 = arith.constant 7 : i32
        %parallel_loop3A_293 = arith.index_cast %parallel_loop3A_292 : i32 to index
        %parallel_loop3A_294 = arith.index_cast %parallel_loop3A_285 : i32 to index
        %parallel_loop3A_295 = tpu.vector_load %arg7[%parallel_loop3A_293, %parallel_loop3A_294] {strides = array<i32>} : memref<8x2048xf32, #tpu.memory_space<vmem>>, vector<1x16xf32>,
        %parallel_loop3A_296 = vector.shape_cast %parallel_loop3A_295 : vector<1x16xf32> to vector<16xf32>
        %parallel_loop3A_297 = vector.shape_cast %parallel_loop3A_291 : vector<16xf32> to vector<1x16xf32>
        tpu.vector_store %arg7[%parallel_loop3A_293, %parallel_loop3A_294], %parallel_loop3A_297 {strides = array<i32>} : memref<8x2048xf32, #tpu.memory_space<vmem>>, vector<1x16xf32>,
      } {sc.loop_unroll_factor = 8 : i64, sc.parallel_access}
      %div3A_154 = arith.constant 2 : i32
      %div3A_155 = arith.divsi %mul3A_66, %div3A_154 : i32
      %mul3A_156 = arith.constant 8 : i32
      %mul3A_157 = arith.muli %div3A_155, %mul3A_156 : i32
      %add3A_158 = arith.addi %mul3A_2, %mul3A_157 : i32
      %rem3A_159 = arith.constant 2 : i32
      %rem3A_160 = arith.remsi %mul3A_66, %rem3A_159 : i32
      %mul3A_161 = arith.constant 2048 : i32
      %mul3A_162 = arith.muli %rem3A_160, %mul3A_161 : i32
      %dma_start3A_163 = tpu.memref_slice %arg4[%add3A_158, %mul3A_162] : memref<12800x4096xf32, #tpu.memory_space<hbm>> -> memref<8x2048xf32, #tpu.memory_space<hbm>>
      %dma_start3A_164 = tpu.memref_slice %arg4[%add3A_158, %mul3A_162] : memref<12800x4096xf32, #tpu.memory_space<hbm>> -> memref<8x2048xf32, #tpu.memory_space<hbm>>
      tpu.enqueue_dma source(%arg7 : memref<8x2048xf32, #tpu.memory_space<vmem>>) target(%dma_start3A_164 : memref<8x2048xf32, #tpu.memory_space<hbm>>) target_semaphore(%arg13 : memref<!tpu.dma_semaphore, #tpu.memory_space<semaphore_mem>>)
      %add3A_165 = arith.constant 2 : i32
      %add3A_166 = arith.addi %mul3A_66, %add3A_165 : i32
      %lt3A = arith.constant 100 : i32
      %lt3A_167 = arith.cmpi slt, %add3A_166, %lt3A : i32
      %convert_element_type3A_168 = arith.extui %lt3A_167 : i1 to i32
      %cond3A_169 = arith.constant 0 : i32
      %cond3A_170 = arith.cmpi ne, %convert_element_type3A_168, %cond3A_169 : i32
      scf.if %cond3A_170 {
        %add3A_283 = arith.constant 2 : i32
        %add3A_284 = arith.addi %mul3A_66, %add3A_283 : i32
        %div3A_285 = arith.constant 2 : i32
        %div3A_286 = arith.divsi %add3A_284, %div3A_285 : i32
        %mul3A_287 = arith.constant 8 : i32
        %mul3A_288 = arith.muli %div3A_286, %mul3A_287 : i32
        %add3A_289 = arith.addi %mul3A_2, %mul3A_288 : i32
        %rem3A_290 = arith.constant 2 : i32
        %rem3A_291 = arith.remsi %add3A_284, %rem3A_290 : i32
        %mul3A_292 = arith.constant 2048 : i32
        %mul3A_293 = arith.muli %rem3A_291, %mul3A_292 : i32
        %dma_start3A_294 = tpu.memref_slice %arg2[%add3A_289, %mul3A_293] : memref<12800x4096xf32, #tpu.memory_space<hbm>> -> memref<8x2048xf32, #tpu.memory_space<hbm>>
        %dma_start3A_295 = tpu.memref_slice %arg2[%add3A_289, %mul3A_293] : memref<12800x4096xf32, #tpu.memory_space<hbm>> -> memref<8x2048xf32, #tpu.memory_space<hbm>>
        tpu.enqueue_dma source(%dma_start3A_295 : memref<8x2048xf32, #tpu.memory_space<hbm>>) target(%arg5 : memref<8x2048xf32, #tpu.memory_space<vmem>>) target_semaphore(%arg11 : memref<!tpu.dma_semaphore, #tpu.memory_space<semaphore_mem>>)
      } else {
      }
      %add3A_171 = arith.constant 1 : i32
      %add3A_172 = arith.addi %mul3A_66, %add3A_171 : i32
      %div3A_173 = arith.constant 2 : i32
      %div3A_174 = arith.divsi %add3A_172, %div3A_173 : i32
      %mul3A_175 = arith.constant 8 : i32
      %mul3A_176 = arith.muli %div3A_174, %mul3A_175 : i32
      %add3A_177 = arith.addi %mul3A_2, %mul3A_176 : i32
      %rem3A_178 = arith.constant 2 : i32
      %rem3A_179 = arith.remsi %add3A_172, %rem3A_178 : i32
      %mul3A_180 = arith.constant 2048 : i32
      %mul3A_181 = arith.muli %rem3A_179, %mul3A_180 : i32
      %dma_wait3A_182 = tpu.memref_slice %arg2[%add3A_177, %mul3A_181] : memref<12800x4096xf32, #tpu.memory_space<hbm>> -> memref<8x2048xf32, #tpu.memory_space<hbm>>
      %dma_wait3A_183 = tpu.memref_slice %arg2[%add3A_177, %mul3A_181] : memref<12800x4096xf32, #tpu.memory_space<hbm>> -> memref<8x2048xf32, #tpu.memory_space<hbm>>
      tpu.wait_dma2 semaphore(%arg12 : memref<!tpu.dma_semaphore, #tpu.memory_space<semaphore_mem>>) src(%dma_wait3A_183 : memref<8x2048xf32, #tpu.memory_space<hbm>>) dst(%arg6 : memref<8x2048xf32, #tpu.memory_space<vmem>>)
      %ge3A_184 = arith.constant 2 : i32
      %ge3A_185 = arith.cmpi sge, %add3A_172, %ge3A_184 : i32
      %convert_element_type3A_186 = arith.extui %ge3A_185 : i1 to i32
      %cond3A_187 = arith.constant 0 : i32
      %cond3A_188 = arith.cmpi ne, %convert_element_type3A_186, %cond3A_187 : i32
      scf.if %cond3A_188 {
        %sub3A = arith.constant 2 : i32
        %sub3A_283 = arith.subi %add3A_172, %sub3A : i32
        %div3A_284 = arith.constant 2 : i32
        %div3A_285 = arith.divsi %sub3A_283, %div3A_284 : i32
        %mul3A_286 = arith.constant 8 : i32
        %mul3A_287 = arith.muli %div3A_285, %mul3A_286 : i32
        %add3A_288 = arith.addi %mul3A_2, %mul3A_287 : i32
        %rem3A_289 = arith.constant 2 : i32
        %rem3A_290 = arith.remsi %sub3A_283, %rem3A_289 : i32
        %mul3A_291 = arith.constant 2048 : i32
        %mul3A_292 = arith.muli %rem3A_290, %mul3A_291 : i32
        %dma_wait3A_293 = tpu.memref_slice %arg4[%add3A_288, %mul3A_292] : memref<12800x4096xf32, #tpu.memory_space<hbm>> -> memref<8x2048xf32, #tpu.memory_space<hbm>>
        %dma_wait3A_294 = tpu.memref_slice %arg4[%add3A_288, %mul3A_292] : memref<12800x4096xf32, #tpu.memory_space<hbm>> -> memref<8x2048xf32, #tpu.memory_space<hbm>>
        tpu.wait_dma2 semaphore(%arg14 : memref<!tpu.dma_semaphore, #tpu.memory_space<semaphore_mem>>) src(%arg8 : memref<8x2048xf32, #tpu.memory_space<vmem>>) dst(%dma_wait3A_294 : memref<8x2048xf32, #tpu.memory_space<hbm>>)
      } else {
      }
      %div3A_189 = arith.constant 2 : i32
      %div3A_190 = arith.divsi %add3A_172, %div3A_189 : i32
      %mul3A_191 = arith.constant 8 : i32
      %mul3A_192 = arith.muli %div3A_190, %mul3A_191 : i32
      %add3A_193 = arith.constant 0 : i32
      %add3A_194 = arith.addi %mul3A_192, %add3A_193 : i32
      %get3A_195 = arith.index_cast %add3A_194 : i32 to index
      %get3A_196 = arith.constant 0 : index
      %get3A_197 = tpu.vector_load %arg9[%get3A_195, %get3A_196] {strides = array<i32>} : memref<400x16xf32, #tpu.memory_space<vmem>>, vector<1x16xf32>,
      %get3A_198 = vector.shape_cast %get3A_197 : vector<1x16xf32> to vector<16xf32>
      %parallel_loop3A_199 = arith.constant 0 : i32
      %parallel_loop3A_200 = arith.constant 128 : i32
      %parallel_loop3A_201 = arith.constant 1 : i32
      scf.for %parallel_loop3A_283 = %parallel_loop3A_199 to %parallel_loop3A_200 step %parallel_loop3A_201  : i32 {
        %parallel_loop3A_284 = arith.constant 16 : i32
        %parallel_loop3A_285 = arith.muli %parallel_loop3A_283, %parallel_loop3A_284 : i32
        %parallel_loop3A_286 = arith.constant 0 : i32
        %parallel_loop3A_287 = arith.index_cast %parallel_loop3A_286 : i32 to index
        %parallel_loop3A_288 = arith.index_cast %parallel_loop3A_285 : i32 to index
        %parallel_loop3A_289 = tpu.vector_load %arg6[%parallel_loop3A_287, %parallel_loop3A_288] {strides = array<i32>} : memref<8x2048xf32, #tpu.memory_space<vmem>>, vector<1x16xf32>,
        %parallel_loop3A_290 = vector.shape_cast %parallel_loop3A_289 : vector<1x16xf32> to vector<16xf32>
        %parallel_loop3A_291 = arith.addf %parallel_loop3A_290, %get3A_198 : vector<16xf32>
        %parallel_loop3A_292 = arith.constant 0 : i32
        %parallel_loop3A_293 = arith.index_cast %parallel_loop3A_292 : i32 to index
        %parallel_loop3A_294 = arith.index_cast %parallel_loop3A_285 : i32 to index
        %parallel_loop3A_295 = tpu.vector_load %arg8[%parallel_loop3A_293, %parallel_loop3A_294] {strides = array<i32>} : memref<8x2048xf32, #tpu.memory_space<vmem>>, vector<1x16xf32>,
        %parallel_loop3A_296 = vector.shape_cast %parallel_loop3A_295 : vector<1x16xf32> to vector<16xf32>
        %parallel_loop3A_297 = vector.shape_cast %parallel_loop3A_291 : vector<16xf32> to vector<1x16xf32>
        tpu.vector_store %arg8[%parallel_loop3A_293, %parallel_loop3A_294], %parallel_loop3A_297 {strides = array<i32>} : memref<8x2048xf32, #tpu.memory_space<vmem>>, vector<1x16xf32>,
      } {sc.loop_unroll_factor = 8 : i64, sc.parallel_access}
      %add3A_202 = arith.constant 1 : i32
      %add3A_203 = arith.addi %mul3A_192, %add3A_202 : i32
      %get3A_204 = arith.index_cast %add3A_203 : i32 to index
      %get3A_205 = arith.constant 0 : index
      %get3A_206 = tpu.vector_load %arg9[%get3A_204, %get3A_205] {strides = array<i32>} : memref<400x16xf32, #tpu.memory_space<vmem>>, vector<1x16xf32>,
      %get3A_207 = vector.shape_cast %get3A_206 : vector<1x16xf32> to vector<16xf32>
      %parallel_loop3A_208 = arith.constant 0 : i32
      %parallel_loop3A_209 = arith.constant 128 : i32
      %parallel_loop3A_210 = arith.constant 1 : i32
      scf.for %parallel_loop3A_283 = %parallel_loop3A_208 to %parallel_loop3A_209 step %parallel_loop3A_210  : i32 {
        %parallel_loop3A_284 = arith.constant 16 : i32
        %parallel_loop3A_285 = arith.muli %parallel_loop3A_283, %parallel_loop3A_284 : i32
        %parallel_loop3A_286 = arith.constant 1 : i32
        %parallel_loop3A_287 = arith.index_cast %parallel_loop3A_286 : i32 to index
        %parallel_loop3A_288 = arith.index_cast %parallel_loop3A_285 : i32 to index
        %parallel_loop3A_289 = tpu.vector_load %arg6[%parallel_loop3A_287, %parallel_loop3A_288] {strides = array<i32>} : memref<8x2048xf32, #tpu.memory_space<vmem>>, vector<1x16xf32>,
        %parallel_loop3A_290 = vector.shape_cast %parallel_loop3A_289 : vector<1x16xf32> to vector<16xf32>
        %parallel_loop3A_291 = arith.addf %parallel_loop3A_290, %get3A_207 : vector<16xf32>
        %parallel_loop3A_292 = arith.constant 1 : i32
        %parallel_loop3A_293 = arith.index_cast %parallel_loop3A_292 : i32 to index
        %parallel_loop3A_294 = arith.index_cast %parallel_loop3A_285 : i32 to index
        %parallel_loop3A_295 = tpu.vector_load %arg8[%parallel_loop3A_293, %parallel_loop3A_294] {strides = array<i32>} : memref<8x2048xf32, #tpu.memory_space<vmem>>, vector<1x16xf32>,
        %parallel_loop3A_296 = vector.shape_cast %parallel_loop3A_295 : vector<1x16xf32> to vector<16xf32>
        %parallel_loop3A_297 = vector.shape_cast %parallel_loop3A_291 : vector<16xf32> to vector<1x16xf32>
        tpu.vector_store %arg8[%parallel_loop3A_293, %parallel_loop3A_294], %parallel_loop3A_297 {strides = array<i32>} : memref<8x2048xf32, #tpu.memory_space<vmem>>, vector<1x16xf32>,
      } {sc.loop_unroll_factor = 8 : i64, sc.parallel_access}
      %add3A_211 = arith.constant 2 : i32
      %add3A_212 = arith.addi %mul3A_192, %add3A_211 : i32
      %get3A_213 = arith.index_cast %add3A_212 : i32 to index
      %get3A_214 = arith.constant 0 : index
      %get3A_215 = tpu.vector_load %arg9[%get3A_213, %get3A_214] {strides = array<i32>} : memref<400x16xf32, #tpu.memory_space<vmem>>, vector<1x16xf32>,
      %get3A_216 = vector.shape_cast %get3A_215 : vector<1x16xf32> to vector<16xf32>
      %parallel_loop3A_217 = arith.constant 0 : i32
      %parallel_loop3A_218 = arith.constant 128 : i32
      %parallel_loop3A_219 = arith.constant 1 : i32
      scf.for %parallel_loop3A_283 = %parallel_loop3A_217 to %parallel_loop3A_218 step %parallel_loop3A_219  : i32 {
        %parallel_loop3A_284 = arith.constant 16 : i32
        %parallel_loop3A_285 = arith.muli %parallel_loop3A_283, %parallel_loop3A_284 : i32
        %parallel_loop3A_286 = arith.constant 2 : i32
        %parallel_loop3A_287 = arith.index_cast %parallel_loop3A_286 : i32 to index
        %parallel_loop3A_288 = arith.index_cast %parallel_loop3A_285 : i32 to index
        %parallel_loop3A_289 = tpu.vector_load %arg6[%parallel_loop3A_287, %parallel_loop3A_288] {strides = array<i32>} : memref<8x2048xf32, #tpu.memory_space<vmem>>, vector<1x16xf32>,
        %parallel_loop3A_290 = vector.shape_cast %parallel_loop3A_289 : vector<1x16xf32> to vector<16xf32>
        %parallel_loop3A_291 = arith.addf %parallel_loop3A_290, %get3A_216 : vector<16xf32>
        %parallel_loop3A_292 = arith.constant 2 : i32
        %parallel_loop3A_293 = arith.index_cast %parallel_loop3A_292 : i32 to index
        %parallel_loop3A_294 = arith.index_cast %parallel_loop3A_285 : i32 to index
        %parallel_loop3A_295 = tpu.vector_load %arg8[%parallel_loop3A_293, %parallel_loop3A_294] {strides = array<i32>} : memref<8x2048xf32, #tpu.memory_space<vmem>>, vector<1x16xf32>,
        %parallel_loop3A_296 = vector.shape_cast %parallel_loop3A_295 : vector<1x16xf32> to vector<16xf32>
        %parallel_loop3A_297 = vector.shape_cast %parallel_loop3A_291 : vector<16xf32> to vector<1x16xf32>
        tpu.vector_store %arg8[%parallel_loop3A_293, %parallel_loop3A_294], %parallel_loop3A_297 {strides = array<i32>} : memref<8x2048xf32, #tpu.memory_space<vmem>>, vector<1x16xf32>,
      } {sc.loop_unroll_factor = 8 : i64, sc.parallel_access}
      %add3A_220 = arith.constant 3 : i32
      %add3A_221 = arith.addi %mul3A_192, %add3A_220 : i32
      %get3A_222 = arith.index_cast %add3A_221 : i32 to index
      %get3A_223 = arith.constant 0 : index
      %get3A_224 = tpu.vector_load %arg9[%get3A_222, %get3A_223] {strides = array<i32>} : memref<400x16xf32, #tpu.memory_space<vmem>>, vector<1x16xf32>,
      %get3A_225 = vector.shape_cast %get3A_224 : vector<1x16xf32> to vector<16xf32>
      %parallel_loop3A_226 = arith.constant 0 : i32
      %parallel_loop3A_227 = arith.constant 128 : i32
      %parallel_loop3A_228 = arith.constant 1 : i32
      scf.for %parallel_loop3A_283 = %parallel_loop3A_226 to %parallel_loop3A_227 step %parallel_loop3A_228  : i32 {
        %parallel_loop3A_284 = arith.constant 16 : i32
        %parallel_loop3A_285 = arith.muli %parallel_loop3A_283, %parallel_loop3A_284 : i32
        %parallel_loop3A_286 = arith.constant 3 : i32
        %parallel_loop3A_287 = arith.index_cast %parallel_loop3A_286 : i32 to index
        %parallel_loop3A_288 = arith.index_cast %parallel_loop3A_285 : i32 to index
        %parallel_loop3A_289 = tpu.vector_load %arg6[%parallel_loop3A_287, %parallel_loop3A_288] {strides = array<i32>} : memref<8x2048xf32, #tpu.memory_space<vmem>>, vector<1x16xf32>,
        %parallel_loop3A_290 = vector.shape_cast %parallel_loop3A_289 : vector<1x16xf32> to vector<16xf32>
        %parallel_loop3A_291 = arith.addf %parallel_loop3A_290, %get3A_225 : vector<16xf32>
        %parallel_loop3A_292 = arith.constant 3 : i32
        %parallel_loop3A_293 = arith.index_cast %parallel_loop3A_292 : i32 to index
        %parallel_loop3A_294 = arith.index_cast %parallel_loop3A_285 : i32 to index
        %parallel_loop3A_295 = tpu.vector_load %arg8[%parallel_loop3A_293, %parallel_loop3A_294] {strides = array<i32>} : memref<8x2048xf32, #tpu.memory_space<vmem>>, vector<1x16xf32>,
        %parallel_loop3A_296 = vector.shape_cast %parallel_loop3A_295 : vector<1x16xf32> to vector<16xf32>
        %parallel_loop3A_297 = vector.shape_cast %parallel_loop3A_291 : vector<16xf32> to vector<1x16xf32>
        tpu.vector_store %arg8[%parallel_loop3A_293, %parallel_loop3A_294], %parallel_loop3A_297 {strides = array<i32>} : memref<8x2048xf32, #tpu.memory_space<vmem>>, vector<1x16xf32>,
      } {sc.loop_unroll_factor = 8 : i64, sc.parallel_access}
      %add3A_229 = arith.constant 4 : i32
      %add3A_230 = arith.addi %mul3A_192, %add3A_229 : i32
      %get3A_231 = arith.index_cast %add3A_230 : i32 to index
      %get3A_232 = arith.constant 0 : index
      %get3A_233 = tpu.vector_load %arg9[%get3A_231, %get3A_232] {strides = array<i32>} : memref<400x16xf32, #tpu.memory_space<vmem>>, vector<1x16xf32>,
      %get3A_234 = vector.shape_cast %get3A_233 : vector<1x16xf32> to vector<16xf32>
      %parallel_loop3A_235 = arith.constant 0 : i32
      %parallel_loop3A_236 = arith.constant 128 : i32
      %parallel_loop3A_237 = arith.constant 1 : i32
      scf.for %parallel_loop3A_283 = %parallel_loop3A_235 to %parallel_loop3A_236 step %parallel_loop3A_237  : i32 {
        %parallel_loop3A_284 = arith.constant 16 : i32
        %parallel_loop3A_285 = arith.muli %parallel_loop3A_283, %parallel_loop3A_284 : i32
        %parallel_loop3A_286 = arith.constant 4 : i32
        %parallel_loop3A_287 = arith.index_cast %parallel_loop3A_286 : i32 to index
        %parallel_loop3A_288 = arith.index_cast %parallel_loop3A_285 : i32 to index
        %parallel_loop3A_289 = tpu.vector_load %arg6[%parallel_loop3A_287, %parallel_loop3A_288] {strides = array<i32>} : memref<8x2048xf32, #tpu.memory_space<vmem>>, vector<1x16xf32>,
        %parallel_loop3A_290 = vector.shape_cast %parallel_loop3A_289 : vector<1x16xf32> to vector<16xf32>
        %parallel_loop3A_291 = arith.addf %parallel_loop3A_290, %get3A_234 : vector<16xf32>
        %parallel_loop3A_292 = arith.constant 4 : i32
        %parallel_loop3A_293 = arith.index_cast %parallel_loop3A_292 : i32 to index
        %parallel_loop3A_294 = arith.index_cast %parallel_loop3A_285 : i32 to index
        %parallel_loop3A_295 = tpu.vector_load %arg8[%parallel_loop3A_293, %parallel_loop3A_294] {strides = array<i32>} : memref<8x2048xf32, #tpu.memory_space<vmem>>, vector<1x16xf32>,
        %parallel_loop3A_296 = vector.shape_cast %parallel_loop3A_295 : vector<1x16xf32> to vector<16xf32>
        %parallel_loop3A_297 = vector.shape_cast %parallel_loop3A_291 : vector<16xf32> to vector<1x16xf32>
        tpu.vector_store %arg8[%parallel_loop3A_293, %parallel_loop3A_294], %parallel_loop3A_297 {strides = array<i32>} : memref<8x2048xf32, #tpu.memory_space<vmem>>, vector<1x16xf32>,
      } {sc.loop_unroll_factor = 8 : i64, sc.parallel_access}
      %add3A_238 = arith.constant 5 : i32
      %add3A_239 = arith.addi %mul3A_192, %add3A_238 : i32
      %get3A_240 = arith.index_cast %add3A_239 : i32 to index
      %get3A_241 = arith.constant 0 : index
      %get3A_242 = tpu.vector_load %arg9[%get3A_240, %get3A_241] {strides = array<i32>} : memref<400x16xf32, #tpu.memory_space<vmem>>, vector<1x16xf32>,
      %get3A_243 = vector.shape_cast %get3A_242 : vector<1x16xf32> to vector<16xf32>
      %parallel_loop3A_244 = arith.constant 0 : i32
      %parallel_loop3A_245 = arith.constant 128 : i32
      %parallel_loop3A_246 = arith.constant 1 : i32
      scf.for %parallel_loop3A_283 = %parallel_loop3A_244 to %parallel_loop3A_245 step %parallel_loop3A_246  : i32 {
        %parallel_loop3A_284 = arith.constant 16 : i32
        %parallel_loop3A_285 = arith.muli %parallel_loop3A_283, %parallel_loop3A_284 : i32
        %parallel_loop3A_286 = arith.constant 5 : i32
        %parallel_loop3A_287 = arith.index_cast %parallel_loop3A_286 : i32 to index
        %parallel_loop3A_288 = arith.index_cast %parallel_loop3A_285 : i32 to index
        %parallel_loop3A_289 = tpu.vector_load %arg6[%parallel_loop3A_287, %parallel_loop3A_288] {strides = array<i32>} : memref<8x2048xf32, #tpu.memory_space<vmem>>, vector<1x16xf32>,
        %parallel_loop3A_290 = vector.shape_cast %parallel_loop3A_289 : vector<1x16xf32> to vector<16xf32>
        %parallel_loop3A_291 = arith.addf %parallel_loop3A_290, %get3A_243 : vector<16xf32>
        %parallel_loop3A_292 = arith.constant 5 : i32
        %parallel_loop3A_293 = arith.index_cast %parallel_loop3A_292 : i32 to index
        %parallel_loop3A_294 = arith.index_cast %parallel_loop3A_285 : i32 to index
        %parallel_loop3A_295 = tpu.vector_load %arg8[%parallel_loop3A_293, %parallel_loop3A_294] {strides = array<i32>} : memref<8x2048xf32, #tpu.memory_space<vmem>>, vector<1x16xf32>,
        %parallel_loop3A_296 = vector.shape_cast %parallel_loop3A_295 : vector<1x16xf32> to vector<16xf32>
        %parallel_loop3A_297 = vector.shape_cast %parallel_loop3A_291 : vector<16xf32> to vector<1x16xf32>
        tpu.vector_store %arg8[%parallel_loop3A_293, %parallel_loop3A_294], %parallel_loop3A_297 {strides = array<i32>} : memref<8x2048xf32, #tpu.memory_space<vmem>>, vector<1x16xf32>,
      } {sc.loop_unroll_factor = 8 : i64, sc.parallel_access}
      %add3A_247 = arith.constant 6 : i32
      %add3A_248 = arith.addi %mul3A_192, %add3A_247 : i32
      %get3A_249 = arith.index_cast %add3A_248 : i32 to index
      %get3A_250 = arith.constant 0 : index
      %get3A_251 = tpu.vector_load %arg9[%get3A_249, %get3A_250] {strides = array<i32>} : memref<400x16xf32, #tpu.memory_space<vmem>>, vector<1x16xf32>,
      %get3A_252 = vector.shape_cast %get3A_251 : vector<1x16xf32> to vector<16xf32>
      %parallel_loop3A_253 = arith.constant 0 : i32
      %parallel_loop3A_254 = arith.constant 128 : i32
      %parallel_loop3A_255 = arith.constant 1 : i32
      scf.for %parallel_loop3A_283 = %parallel_loop3A_253 to %parallel_loop3A_254 step %parallel_loop3A_255  : i32 {
        %parallel_loop3A_284 = arith.constant 16 : i32
        %parallel_loop3A_285 = arith.muli %parallel_loop3A_283, %parallel_loop3A_284 : i32
        %parallel_loop3A_286 = arith.constant 6 : i32
        %parallel_loop3A_287 = arith.index_cast %parallel_loop3A_286 : i32 to index
        %parallel_loop3A_288 = arith.index_cast %parallel_loop3A_285 : i32 to index
        %parallel_loop3A_289 = tpu.vector_load %arg6[%parallel_loop3A_287, %parallel_loop3A_288] {strides = array<i32>} : memref<8x2048xf32, #tpu.memory_space<vmem>>, vector<1x16xf32>,
        %parallel_loop3A_290 = vector.shape_cast %parallel_loop3A_289 : vector<1x16xf32> to vector<16xf32>
        %parallel_loop3A_291 = arith.addf %parallel_loop3A_290, %get3A_252 : vector<16xf32>
        %parallel_loop3A_292 = arith.constant 6 : i32
        %parallel_loop3A_293 = arith.index_cast %parallel_loop3A_292 : i32 to index
        %parallel_loop3A_294 = arith.index_cast %parallel_loop3A_285 : i32 to index
        %parallel_loop3A_295 = tpu.vector_load %arg8[%parallel_loop3A_293, %parallel_loop3A_294] {strides = array<i32>} : memref<8x2048xf32, #tpu.memory_space<vmem>>, vector<1x16xf32>,
        %parallel_loop3A_296 = vector.shape_cast %parallel_loop3A_295 : vector<1x16xf32> to vector<16xf32>
        %parallel_loop3A_297 = vector.shape_cast %parallel_loop3A_291 : vector<16xf32> to vector<1x16xf32>
        tpu.vector_store %arg8[%parallel_loop3A_293, %parallel_loop3A_294], %parallel_loop3A_297 {strides = array<i32>} : memref<8x2048xf32, #tpu.memory_space<vmem>>, vector<1x16xf32>,
      } {sc.loop_unroll_factor = 8 : i64, sc.parallel_access}
      %add3A_256 = arith.constant 7 : i32
      %add3A_257 = arith.addi %mul3A_192, %add3A_256 : i32
      %get3A_258 = arith.index_cast %add3A_257 : i32 to index
      %get3A_259 = arith.constant 0 : index
      %get3A_260 = tpu.vector_load %arg9[%get3A_258, %get3A_259] {strides = array<i32>} : memref<400x16xf32, #tpu.memory_space<vmem>>, vector<1x16xf32>,
      %get3A_261 = vector.shape_cast %get3A_260 : vector<1x16xf32> to vector<16xf32>
      %parallel_loop3A_262 = arith.constant 0 : i32
      %parallel_loop3A_263 = arith.constant 128 : i32
      %parallel_loop3A_264 = arith.constant 1 : i32
      scf.for %parallel_loop3A_283 = %parallel_loop3A_262 to %parallel_loop3A_263 step %parallel_loop3A_264  : i32 {
        %parallel_loop3A_284 = arith.constant 16 : i32
        %parallel_loop3A_285 = arith.muli %parallel_loop3A_283, %parallel_loop3A_284 : i32
        %parallel_loop3A_286 = arith.constant 7 : i32
        %parallel_loop3A_287 = arith.index_cast %parallel_loop3A_286 : i32 to index
        %parallel_loop3A_288 = arith.index_cast %parallel_loop3A_285 : i32 to index
        %parallel_loop3A_289 = tpu.vector_load %arg6[%parallel_loop3A_287, %parallel_loop3A_288] {strides = array<i32>} : memref<8x2048xf32, #tpu.memory_space<vmem>>, vector<1x16xf32>,
        %parallel_loop3A_290 = vector.shape_cast %parallel_loop3A_289 : vector<1x16xf32> to vector<16xf32>
        %parallel_loop3A_291 = arith.addf %parallel_loop3A_290, %get3A_261 : vector<16xf32>
        %parallel_loop3A_292 = arith.constant 7 : i32
        %parallel_loop3A_293 = arith.index_cast %parallel_loop3A_292 : i32 to index
        %parallel_loop3A_294 = arith.index_cast %parallel_loop3A_285 : i32 to index
        %parallel_loop3A_295 = tpu.vector_load %arg8[%parallel_loop3A_293, %parallel_loop3A_294] {strides = array<i32>} : memref<8x2048xf32, #tpu.memory_space<vmem>>, vector<1x16xf32>,
        %parallel_loop3A_296 = vector.shape_cast %parallel_loop3A_295 : vector<1x16xf32> to vector<16xf32>
        %parallel_loop3A_297 = vector.shape_cast %parallel_loop3A_291 : vector<16xf32> to vector<1x16xf32>
        tpu.vector_store %arg8[%parallel_loop3A_293, %parallel_loop3A_294], %parallel_loop3A_297 {strides = array<i32>} : memref<8x2048xf32, #tpu.memory_space<vmem>>, vector<1x16xf32>,
      } {sc.loop_unroll_factor = 8 : i64, sc.parallel_access}
      %div3A_265 = arith.constant 2 : i32
      %div3A_266 = arith.divsi %add3A_172, %div3A_265 : i32
      %mul3A_267 = arith.constant 8 : i32
      %mul3A_268 = arith.muli %div3A_266, %mul3A_267 : i32
      %add3A_269 = arith.addi %mul3A_2, %mul3A_268 : i32
      %rem3A_270 = arith.constant 2 : i32
      %rem3A_271 = arith.remsi %add3A_172, %rem3A_270 : i32
      %mul3A_272 = arith.constant 2048 : i32
      %mul3A_273 = arith.muli %rem3A_271, %mul3A_272 : i32
      %dma_start3A_274 = tpu.memref_slice %arg4[%add3A_269, %mul3A_273] : memref<12800x4096xf32, #tpu.memory_space<hbm>> -> memref<8x2048xf32, #tpu.memory_space<hbm>>
      %dma_start3A_275 = tpu.memref_slice %arg4[%add3A_269, %mul3A_273] : memref<12800x4096xf32, #tpu.memory_space<hbm>> -> memref<8x2048xf32, #tpu.memory_space<hbm>>
      tpu.enqueue_dma source(%arg8 : memref<8x2048xf32, #tpu.memory_space<vmem>>) target(%dma_start3A_275 : memref<8x2048xf32, #tpu.memory_space<hbm>>) target_semaphore(%arg14 : memref<!tpu.dma_semaphore, #tpu.memory_space<semaphore_mem>>)
      %add3A_276 = arith.constant 2 : i32
      %add3A_277 = arith.addi %add3A_172, %add3A_276 : i32
      %lt3A_278 = arith.constant 100 : i32
      %lt3A_279 = arith.cmpi slt, %add3A_277, %lt3A_278 : i32
      %convert_element_type3A_280 = arith.extui %lt3A_279 : i1 to i32
      %cond3A_281 = arith.constant 0 : i32
      %cond3A_282 = arith.cmpi ne, %convert_element_type3A_280, %cond3A_281 : i32
      scf.if %cond3A_282 {
        %add3A_283 = arith.constant 2 : i32
        %add3A_284 = arith.addi %add3A_172, %add3A_283 : i32
        %div3A_285 = arith.constant 2 : i32
        %div3A_286 = arith.divsi %add3A_284, %div3A_285 : i32
        %mul3A_287 = arith.constant 8 : i32
        %mul3A_288 = arith.muli %div3A_286, %mul3A_287 : i32
        %add3A_289 = arith.addi %mul3A_2, %mul3A_288 : i32
        %rem3A_290 = arith.constant 2 : i32
        %rem3A_291 = arith.remsi %add3A_284, %rem3A_290 : i32
        %mul3A_292 = arith.constant 2048 : i32
        %mul3A_293 = arith.muli %rem3A_291, %mul3A_292 : i32
        %dma_start3A_294 = tpu.memref_slice %arg2[%add3A_289, %mul3A_293] : memref<12800x4096xf32, #tpu.memory_space<hbm>> -> memref<8x2048xf32, #tpu.memory_space<hbm>>
        %dma_start3A_295 = tpu.memref_slice %arg2[%add3A_289, %mul3A_293] : memref<12800x4096xf32, #tpu.memory_space<hbm>> -> memref<8x2048xf32, #tpu.memory_space<hbm>>
        tpu.enqueue_dma source(%dma_start3A_295 : memref<8x2048xf32, #tpu.memory_space<hbm>>) target(%arg6 : memref<8x2048xf32, #tpu.memory_space<vmem>>) target_semaphore(%arg12 : memref<!tpu.dma_semaphore, #tpu.memory_space<semaphore_mem>>)
      } else {
      }
    }
    %scan3A_37 = arith.constant 50 : i32
    %div3A_38 = arith.constant 98 : i32
    %div3A_39 = arith.constant 2 : i32
    %div3A_40 = arith.divsi %div3A_38, %div3A_39 : i32
    %mul3A_41 = arith.constant 8 : i32
    %mul3A_42 = arith.muli %div3A_40, %mul3A_41 : i32
    %add3A_43 = arith.addi %mul3A_2, %mul3A_42 : i32
    %rem3A_44 = arith.constant 98 : i32
    %rem3A_45 = arith.constant 2 : i32
    %rem3A_46 = arith.remsi %rem3A_44, %rem3A_45 : i32
    %mul3A_47 = arith.constant 2048 : i32
    %mul3A_48 = arith.muli %rem3A_46, %mul3A_47 : i32
    %dma_wait3A_49 = tpu.memref_slice %arg4[%add3A_43, %mul3A_48] : memref<12800x4096xf32, #tpu.memory_space<hbm>> -> memref<8x2048xf32, #tpu.memory_space<hbm>>
    %dma_wait3A_50 = tpu.memref_slice %arg4[%add3A_43, %mul3A_48] : memref<12800x4096xf32, #tpu.memory_space<hbm>> -> memref<8x2048xf32, #tpu.memory_space<hbm>>
    tpu.wait_dma2 semaphore(%arg13 : memref<!tpu.dma_semaphore, #tpu.memory_space<semaphore_mem>>) src(%arg7 : memref<8x2048xf32, #tpu.memory_space<vmem>>) dst(%dma_wait3A_50 : memref<8x2048xf32, #tpu.memory_space<hbm>>)
    %div3A_51 = arith.constant 99 : i32
    %div3A_52 = arith.constant 2 : i32
    %div3A_53 = arith.divsi %div3A_51, %div3A_52 : i32
    %mul3A_54 = arith.constant 8 : i32
    %mul3A_55 = arith.muli %div3A_53, %mul3A_54 : i32
    %add3A_56 = arith.addi %mul3A_2, %mul3A_55 : i32
    %rem3A_57 = arith.constant 99 : i32
    %rem3A_58 = arith.constant 2 : i32
    %rem3A_59 = arith.remsi %rem3A_57, %rem3A_58 : i32
    %mul3A_60 = arith.constant 2048 : i32
    %mul3A_61 = arith.muli %rem3A_59, %mul3A_60 : i32
    %dma_wait3A_62 = tpu.memref_slice %arg4[%add3A_56, %mul3A_61] : memref<12800x4096xf32, #tpu.memory_space<hbm>> -> memref<8x2048xf32, #tpu.memory_space<hbm>>
    %dma_wait3A_63 = tpu.memref_slice %arg4[%add3A_56, %mul3A_61] : memref<12800x4096xf32, #tpu.memory_space<hbm>> -> memref<8x2048xf32, #tpu.memory_space<hbm>>
    tpu.wait_dma2 semaphore(%arg14 : memref<!tpu.dma_semaphore, #tpu.memory_space<semaphore_mem>>) src(%arg8 : memref<8x2048xf32, #tpu.memory_space<vmem>>) dst(%dma_wait3A_63 : memref<8x2048xf32, #tpu.memory_space<hbm>>)
    return
  }
}

</mosaic_0001>

<sc_bundles>
// kernel: kernel.3.cloned.1.call-start
scs
__scs_entry_jumppad:
0x0: {  	(pc) =	sbr.rel $0x88, $3  }
0x1: {  	(tag) =	ssettag $0x0;
	lr =	simm.s32 $0x1  }
0x2: {  	[smem:$0x3F9F] =	sst lr;
	_ =	strace $0xD0000000  }
0x3: {  	_ = 	snop  }
0x4: {  	_ = 	snop  }
0x5: {  	_ = 	snop  }
0x6: {  	_ = 	snop  }
0x7: {  	_ = 	snop  }
__scs_overlays_trampoline_lowered:
0x8: {  	[smem:$0x3FAE] =	sst s0  }
0x9: {  	[smem:$0x3FAF] =	sst s1  }
0xa: {  	[smem:$0x3FB0] =	sst s2  }
0xb: {  	[smem:$0x3FB1] =	sst s3  }
0xc: {  	[smem:$0x3FB2] =	sst s4  }
0xd: {  	[smem:$0x3FB3] =	sst s5  }
0xe: {  	[smem:$0x3FB4] =	sst s6  }
0xf: {  	[smem:$0x3FB5] =	sst s7  }
0x10: {  	[smem:$0x3FB6] =	sst s8  }
0x11: {  	[smem:$0x3FB7] =	sst s9;
	s0 =	simm.s32 @!p0 $0x0  }
0x12: {  	s1 =	sld [smem:$0x3F9D];
	s0 =	simm.s32 @p0 $0x1  }
0x13: {  	[smem:$0x3FB8] =	sst s0;
	s0 =	simm.s32 @!p1 $0x0  }
0x14: {  	s2 =	sld [smem:$0x3F9C];
	s0 =	simm.s32 @p1 $0x1  }
0x15: {  	[smem:$0x3FB9] =	sst s0;
	s0 =	simm.s32 @!p2 $0x0  }
0x16: {  	s3 =	sld [smem:$0x3FDB];
	s0 =	simm.s32 @p2 $0x1  }
0x17: {  	s4 =	simm.s32 $0x1BF5;
	[smem:$0x3FBB] =	sst s0  }
0x18: {  	s0 =	sld [smem:$0x3F9E];
	_ =	swait.ge [sflag:s4], $0x0  }
0x19: {  	s7 =	sld [smem:$0x3F9F]  }
0x1a: {  	s8 =	sadd.s32 $0xFFFFE003, lr  }
0x1b: {  	s9 =	sadd.s32 $0xFFFFFEF7, lr;
	s5 =	simm.s32 $0xFFFFFFFF;
	p2 =	slt.u32 s8, $0xFFFFF086  }
0x1c: {  	p1 =	slt.u32 s9, $0xF7A;
	s5 =	simm.s32 @!p2 $0x0  }
0x1d: {  	s5 =	simm.s32 @p1 $0x1;
	p0 =	seq.s32 s7, s2  }
0x1e: {  	s7 =	smul.u32 @!p0 $0xF7A, s2;
	p2 =	seq.s32 @!p0 s5, $0x0  }
0x1f: {  	s9 =	smul.u32 $0xF7A, s1;
	s8 =	simm.s32 @!p0 $0x1BF5;
	p2 =	por !p2, p0  }
0x20: {  	[sflag:s8] =	ssyncset.s32 @!p0 $0xFFFFF086;
	s6 =	sadd.s32 @!p0 s3, s7;
	s7 =	simm.s32 @!p0 $0x108  }
0x21: {  	s3 =	sadd.s32 s3, s9;
	s6 =	sadd.s32 @!p0 $0x88, s6;
	s7 =	simm.s32 @p2 $0x1082  }
0x22: {  	[simem:s7], [sflag:s8] =	dma.local @!p0 [hbm:s6], $0xF7A  }
0x23: {  	s9 =	sor.u32 $0xD0000000, s2;
	s6 =	simm.s32 $0x108;
	_ =	swait.ge @!p0 [sflag:s8], $0x0  }
0x24: {  	s3 =	sadd.s32 $0x88, s3;
	s6 =	simm.s32 @!p1 $0x1082;
	[sflag:s4] =	ssyncset.s32 $0xFFFFF086  }
0x25: {  	[simem:s6], [sflag:s4] =	dma.local [hbm:s3], $0xF7A  }
0x26: {  	[smem:$0x3F9F] =	sst s1;
	(tag) =	ssettag s2;
	_ =	strace s9  }
0x27: {  	s1 =	sld [smem:$0x3FAF]  }
0x28: {  	s2 =	sld [smem:$0x3FB0]  }
0x29: {  	s4 =	sld [smem:$0x3FB2]  }
0x2a: {  	p0 =	seq.s32 s5, $0x0;
	s5 =	sld [smem:$0x3FB3]  }
0x2b: {  	s6 =	sld [smem:$0x3FB4]  }
0x2c: {  	s7 =	sld [smem:$0x3FB5]  }
0x2d: {  	s3 =	simm.s32 $0x108;
	s8 =	sld [smem:$0x3FB6]  }
0x2e: {  	s3 =	simm.s32 @!p0 $0x1082;
	s9 =	sld [smem:$0x3FB7]  }
0x2f: {  	lr =	sadd.s32 s0, s3;
	s0 =	sld [smem:$0x3FAE]  }
0x30: {  	s3 =	sld [smem:$0x3FB1]  }
0x31: {  	[smem:$0x3FBA] =	sst s10  }
0x32: {  	s10 =	sld [smem:$0x3FB8];
	_ =	sdelay $0x3  }
0x33: {  	p0 =	seq.s32 s10, $0x1;
	s10 =	sld [smem:$0x3FBA];
	_ =	sdelay $0x3  }
0x34: {  	[smem:$0x3FBA] =	sst s10  }
0x35: {  	s10 =	sld [smem:$0x3FB9];
	_ =	sdelay $0x3  }
0x36: {  	p1 =	seq.s32 s10, $0x1;
	s10 =	sld [smem:$0x3FBA];
	_ =	sdelay $0x3  }
0x37: {  	[smem:$0x3FBA] =	sst s10  }
0x38: {  	s10 =	sld [smem:$0x3FBB]  }
0x39: {  	_ = 	snop;
	(pc) =	sbr.ind lr, $3  }
0x3a: {  	_ = 	snop  }
0x3b: {  	_ = 	snop  }
0x3c: {  	p2 =	seq.s32 s10, $0x1;
	s10 =	sld [smem:$0x3FBA]  }
0x3d: {  	_ =	shalt  }
0x3e: {  	_ =	shalt  }
0x3f: {  	_ =	shalt  }
0x40: {  	_ =	shalt  }
0x41: {  	_ =	shalt  }
0x42: {  	_ =	shalt  }
0x43: {  	_ =	shalt  }
0x44: {  	_ =	shalt  }
0x45: {  	_ =	shalt  }
0x46: {  	_ =	shalt  }
0x47: {  	_ =	shalt  }
0x48: {  	_ =	shalt  }
0x49: {  	_ =	shalt  }
0x4a: {  	_ =	shalt  }
0x4b: {  	_ =	shalt  }
0x4c: {  	_ =	shalt  }
0x4d: {  	_ =	shalt  }
0x4e: {  	_ =	shalt  }
0x4f: {  	_ =	shalt  }
0x50: {  	_ =	shalt  }
0x51: {  	_ =	shalt  }
0x52: {  	_ =	shalt  }
0x53: {  	_ =	shalt  }
0x54: {  	_ =	shalt  }
0x55: {  	_ =	shalt  }
0x56: {  	_ =	shalt  }
0x57: {  	_ =	shalt  }
0x58: {  	_ =	shalt  }
0x59: {  	_ =	shalt  }
0x5a: {  	_ =	shalt  }
0x5b: {  	_ =	shalt  }
0x5c: {  	_ =	shalt  }
0x5d: {  	_ =	shalt  }
0x5e: {  	_ =	shalt  }
0x5f: {  	_ =	shalt  }
0x60: {  	_ =	shalt  }
0x61: {  	_ =	shalt  }
0x62: {  	_ =	shalt  }
0x63: {  	_ =	shalt  }
0x64: {  	_ =	shalt  }
0x65: {  	_ =	shalt  }
0x66: {  	_ =	shalt  }
0x67: {  	_ =	shalt  }
0x68: {  	_ =	shalt  }
0x69: {  	_ =	shalt  }
0x6a: {  	_ =	shalt  }
0x6b: {  	_ =	shalt  }
0x6c: {  	_ =	shalt  }
0x6d: {  	_ =	shalt  }
0x6e: {  	_ =	shalt  }
0x6f: {  	_ =	shalt  }
0x70: {  	_ =	shalt  }
0x71: {  	_ =	shalt  }
0x72: {  	_ =	shalt  }
0x73: {  	_ =	shalt  }
0x74: {  	_ =	shalt  }
0x75: {  	_ =	shalt  }
0x76: {  	_ =	shalt  }
0x77: {  	_ =	shalt  }
0x78: {  	_ =	shalt  }
0x79: {  	_ =	shalt  }
0x7a: {  	_ =	shalt  }
0x7b: {  	_ =	shalt  }
0x7c: {  	_ =	shalt  }
0x7d: {  	_ =	shalt  }
0x7e: {  	_ =	shalt  }
0x7f: {  	_ =	shalt  }
0x80: {  	_ =	shalt  }
0x81: {  	_ =	shalt  }
0x82: {  	_ =	shalt  }
0x83: {  	_ =	shalt  }
0x84: {  	_ =	shalt  }
0x85: {  	_ =	shalt  }
0x86: {  	_ =	shalt  }
0x87: {  	_ =	shalt  }
.Lfunc_end0:
.L_simem_size_0:
called_computation_lowered:
.L_overlay_start_0:
0x88: {  	s2 =	sld [smem:$0x3FD9]  }
0x89: {  	s3 =	sld [smem:$0x3FFE];
	_ =	sdelay $0x1  }
0x8a: {  	s1 =	srdreg.scid  }
0x8b: {  	s0 =	sand.u32 $0x1, s1  }
0x8c: {  	s17 =	sshll.u32 s0, $0xA;
	s2 =	sadd.s32 s3, s2  }
0x8d: {  	s2 =	sadd.s32 s2, s17  }
0x8e: {  	[smem:$0x3FC6] =	sst s2  }
0x8f: {  	_ = 	snop  }
0x90: {  	s2 =	sld [smem:$0x3FC9]  }
0x91: {  	s18 =	sld [smem:$0x3FD0];
	(tm) =	ssettm $0x1  }
0x92: {  	s4 =	sld [smem:$0x3FFB];
	_ =	sdelay $0x3  }
0x93: {  	_ =	strace s4  }
0x94: {  	s4 =	sld [smem:$0x3FFC];
	_ =	sdelay $0x3  }
0x95: {  	_ =	strace s4  }
0x96: {  	s4 =	sld [smem:$0x3FFD];
	_ =	sdelay $0x3  }
0x97: {  	_ =	strace s4  }
0x98: {  	_ =	strace $0x8FFFFFFF  }
0x99: {  	s19 =	sld [smem:$0x3FDB];
	_ =	sdelay $0x1  }
0x9a: {  	s5 =	simm.s32 $_scs_section_size  }
0x9b: {  	s6 =	simm.s32 $_size__tile_overlayer_lowered;
	s7 =	simm.s32 $_tile_overlayer_lowered  }
0x9c: {  	s22 =	simm.s32 $0x1BFF;
	s21 =	sshll.u32 s7, $0x1;
	s4 =	sadd.s32 s5, s19  }
0x9d: {  	s8 =	simm.s32 $0x0;
	s20 =	sshll.u32 s6, $0x1;
	s6 =	sadd.s32 s21, s4  }
0x9e: {  	[timem:s8], [sflag:s22] =	dma.local [hbm:s6], s20  }
0x9f: {  	_ =	swait.ge [sflag:s22], s20  }
0xa0: {  	s5 =	ssub.s32 $0x0, s20;
	[sflag:s22] =	ssyncset.done $0x0  }
0xa1: {  	[sflag:s22] =	ssyncadd.s32 s5;
	_ =	sdelay $0x1  }
0xa2: {  	s23 =	simm.s32 $0x1B8B  }
0xa3: {  	_ =	swait.ge [sflag:s23], $0x1  }
0xa4: {  	[sflag:s23] =	ssyncset.done $0x0  }
0xa5: {  	s25 =	simm.s32 $0x1B8E;
	s24 =	sld [smem:$0x3FFE];
	[sflag:s23] =	ssyncadd.s32 $0xFFFFFFFF  }
0xa6: {  	s26 =	simm.s32 $execute0_lowered;
	[smem:$0x3FD2] =	sst s25  }
0xa7: {  	s6 =	sshll.u32 s26, $0x1;
	_ =	strace $0x80000046;
	[dreg:$0x1] =	wrdreg $0xFFFFFFFF  }
0xa8: {  	s28 =	simm.s32 $_size_execute0_lowered;
	s4 =	sadd.s32 s4, s6;
	[dreg:$0x0] =	wrdreg $0x0  }
0xa9: {  	s6 =	sshll.u32 s28, $0x1;
	[dreg:$0x2] =	wrdreg s4  }
0xaa: {  	[dreg:$0x3] =	wrdreg s6  }
0xab: {  	[dreg:$0x4] =	wrdreg $0xC0  }
0xac: {  	_ =	task [dreg:s8], $0x5FFFF  }
0xad: {  	[dreg:$0x1] =	wrdreg $0xFFFFFFFF  }
0xae: {  	[dreg:$0x0] =	wrdreg $0x60  }
0xaf: {  	[dreg:$0x2] =	wrdreg s2  }
0xb0: {  	[dreg:$0x3] =	wrdreg s24  }
0xb1: {  	[dreg:$0x4] =	wrdreg s18  }
0xb2: {  	[dreg:$0x5] =	wrdreg $0x9  }
0xb3: {  	_ =	task.clear_ibuf [dreg:s8], $0x6FFFF;
	_ =	strace $0x90000046  }
0xb4: {  	s29 =	simm.s32 $0x9;
	_ =	strace $0x80000048  }
0xb5: {  	_ =	swait.ge [sflag:s29], $0x1  }
0xb6: {  	[sflag:s29] =	ssyncadd.s32 $0xFFFFFFFF  }
0xb7: {  	_ =	strace $0x90000048  }
0xb8: {  	_ =	sfence  }
0xb9: {  	s30 =	sld [smem:$0x0];
	_ =	sdelay $0x2  }
0xba: {  	s31 =	sshll.u32 s1, $0xD;
	s1 =	sshrl.u32 s1, $0x2  }
0xbb: {  	s3 =	sand.u32 $0x4000, s31;
	s1 =	sadd.s32 s1, s30  }
0xbc: {  	s0 =	sor.u32 s3, s0;
	s1 =	sshll.u32 s1, $0x11  }
0xbd: {  	s0 =	sor.u32 s1, s0  }
0xbe: {  	s0 =	sadd.s32 $0x8F2B, s0  }
0xbf: {  	[sflag:s0] =	ssyncadd.remote.s32 $0x1  }
0xc0: {  	_ =	sfence.sel $0xFFFF  }
0xc1: {  	[dreg:$0x0] =	wrdreg $0xFFFFFFFF;
	(pc) =	sbr.abs _section_cstart, $3  }
0xc2: {  	[dreg:$0x1] =	wrdreg $0xFFFFFFFF  }
0xc3: {  	_ =	task.clear_ibuf [dreg:s8], $0x2FFFF;
	_ =	strace $0x9FFFFFFF  }
0xc4: {  	(tm) =	ssettm $0x7FFFFFFF  }
0xc5: {  	_ =	shalt  }
tec
execute0_lowered:
.L_overlay_start_1:
0x0: {  	(tag) =	ssettag $0x1  }
0x1: {  	s1 =	rddreg [dreg:$0x0]  }
0x2: {  	s2 =	srdreg.scid;
	s5 =	rddreg [dreg:$0x1]  }
0x3: {  	s0 =	stileid.u32;
	s3 =	rddreg [dreg:$0x2];
	s4 =	simm.s32 $0x0  }
0x4: {  	s14 =	simm.s32 $0x10000;
	s15 =	simm.s32 $0x1;
	s16 =	simm.s32 $0x4000  }
0x5: {  	s17 =	simm.s32 $0x2;
	s18 =	simm.s32 $0x8000;
	s19 =	simm.s32 $0x3  }
0x6: {  	s20 =	simm.s32 $0x5;
	s6 =	sand.u32 $0x1, s2;
	s30 =	sshll.u32 s0, $0x1  }
0x7: {  	s21 =	simm.s32 $0xC000;
	s22 =	simm.s32 $0x4;
	s8 =	sor.u32 s6, s30  }
0x8: {  	s23 =	simm.s32 $0x0;
	s2 =	rddreg [dreg:$0x3];
	s7 =	smul.u32 $0x1900, s8  }
0x9: {  	[smem:$0x7FF] =	sst s4;
	s6 =	ssub.s32 $0x2, s6;
	s10 =	smul.u32 $0x190000, s8  }
.Ltmp0:
0xa: {  	s11 =	sadd.s32 $0x800, s3;
	s31 =	sshrl.u32 s6, $0x1;
	(pc) =	sbr.rel .LBB2_1-.Ltmp0, $4  }
0xb: {  	_ =	strace $0x80000047;
	s8 =	smul.u32 $0x32, s8;
	s13 =	ssub.s32 s6, s31  }
0xc: {  	s5 =	sadd.s32 s7, s5;
	s9 =	sshrl.u32 s10, $0x3;
	s7 =	sadd.s32 $0x800, s1  }
0xd: {  	s10 =	sor.u32 $0x8000, s10;
	s12 =	sor.u32 $0x1, s8;
	s13 =	smax.u32 s13, $0x1  }
0xe: {  	s5 =	sadd.s32 $0x400, s5;
	s6 =	sadd.s32 s1, s9;
	s9 =	sadd.s32 s9, s7  }
.LBB2_40:
0xf: {  	s23 =	sadd.s32 $0x1, s23  }
0x10: {  	_ =	swait.ge [sflag:s22], $0x4000;
	p0 =	sne.s32 s23, s13  }
.Ltmp1:
0x11: {  	[sflag:s22] =	ssyncset.done $0x0;
	(pc) =	sbr.rel @!p0 .LBB2_41-.Ltmp1, $4  }
0x12: {  	[sflag:s22] =	ssyncadd.s32 $0xFFFFC000  }
0x13: {  	_ =	swait.ge [sflag:s20], $0x4000  }
0x14: {  	[sflag:s20] =	ssyncset.done $0x0  }
0x15: {  	[sflag:s20] =	ssyncadd.s32 $0xFFFFC000  }
.LBB2_1:
0x16: {  	[tilespmem:s14], [sflag:$0x1] =	stream.linear.gather [hbm4b:s5+s4], $0xC800, $0x38;
	[tilespmem:$0x1C800] =	vst v63  }
0x17: {  	_ =	swait.ge [sflag:s15], $0xC800  }
0x18: {  	[sflag:s15] =	ssyncset.done $0x0  }
0x19: {  	[sflag:s15] =	ssyncadd.s32 $0xFFFF3800  }
0x1a: {  	[tilespmem:s4], [sflag:$0x2] =	stream.linear.gather [hbm4b:s6+s4], $0x4000, $0x38;
	[tilespmem:$0x1C800] =	vst v63  }
0x1b: {  	s24 =	simm.s32 $0x0  }
0x1c: {  	[tilespmem:s16], [sflag:$0x3] =	stream.linear.gather [hbm4b:s9+s4], $0x4000, $0x38;
	[tilespmem:$0x1C800] =	vst v63  }
.LBB2_2:
0x1d: {  	_ =	swait.ge [sflag:s17], $0x4000  }
0x1e: {  	p0 =	seq.s32 s24, $0x0;
	[sflag:s17] =	ssyncset.done $0x0  }
0x1f: {  	s25 =	simm.s32 @!p0 $0x4;
	[sflag:s17] =	ssyncadd.s32 $0xFFFFC000  }
0x20: {  	_ =	swait.ge @!p0 [sflag:s25], $0x4000  }
0x21: {  	s26 =	sshll.u32 s24, $0xA;
	[sflag:s25] =	ssyncset.done @!p0 $0x0  }
0x22: {  	[sflag:s25] =	ssyncadd.s32 @!p0 $0xFFFFC000;
	s25 =	sand.u32 $0x3FFFFC00, s26  }
0x23: {  	s29 =	simm.s32 $0x40;
	v0 =	vld [tilespmem:s25+$0x10000]  }
0x24: {  	v3 =	vld [tilespmem:s29+$0x30]  }
0x25: {  	v5 =	vld [tilespmem:s29+$0xFFFFFFD0]  }
0x26: {  	v7 =	vld [tilespmem:s29+$0xFFFFFFE0]  }
0x27: {  	v4 =	vld [tilespmem:s29+$0xFFFFFFF0]  }
0x28: {  	v2 =	vld [tilespmem:s29+$0x0]  }
0x29: {  	v1 =	vld [tilespmem:s29+$0x10];
	v8 =	vadd.f32 v3, v0  }
0x2a: {  	s26 =	simm.s32 $0x8040;
	v3 =	vld [tilespmem:s29+$0x20];
	v6 =	vadd.f32 v5, v0  }
0x2b: {  	s28 =	simm.s32 $0x0;
	v5 =	vld [tilespmem:s29+$0xFFFFFFC0];
	v7 =	vadd.f32 v7, v0;
	s29 =	simm.s32 $0x440;
	[tilespmem:s26+$0x30] =	vst v8  }
.LBB2_3:
0x2c: {  	v8 =	vld [tilespmem:s29+$0x30];
	s28 =	sadd.s32 $0x8, s28;
	[tilespmem:s26+$0xFFFFFFD0] =	vst v6;
	v4 =	vadd.f32 v4, v0  }
0x2d: {  	v6 =	vld [tilespmem:s29+$0xFFFFFFD0];
	p1 =	slt.u32 s28, $0x78;
	[tilespmem:s26+$0xFFFFFFE0] =	vst v7;
	v2 =	vadd.f32 v2, v0  }
0x2e: {  	v7 =	vld [tilespmem:s29+$0xFFFFFFE0];
	[tilespmem:s26+$0xFFFFFFF0] =	vst v4;
	v1 =	vadd.f32 v1, v0  }
.Ltmp2:
0x2f: {  	v4 =	vld [tilespmem:s29+$0xFFFFFFF0];
	[tilespmem:s26+$0x0] =	vst v2;
	v3 =	vadd.f32 v3, v0;
	(pc) =	sbr.rel @p1 .LBB2_3-.Ltmp2, $4  }
0x30: {  	v2 =	vld [tilespmem:s29+$0x0];
	v5 =	vadd.f32 v5, v0;
	[tilespmem:s26+$0x10] =	vst v1  }
0x31: {  	v1 =	vld [tilespmem:s29+$0x10];
	v8 =	vadd.f32 v8, v0;
	[tilespmem:s26+$0x20] =	vst v3  }
0x32: {  	v6 =	vadd.f32 v6, v0;
	v3 =	vld [tilespmem:s29+$0x20];
	[tilespmem:s26+$0xFFFFFFC0] =	vst v5;
	s26 =	sadd.s32 $0x400, s26  }
0x33: {  	v5 =	vld [tilespmem:s29+$0xFFFFFFC0];
	v7 =	vadd.f32 v7, v0;
	[tilespmem:s26+$0x30] =	vst v8;
	s29 =	sadd.s32 $0x400, s29  }
0x34: {  	[tilespmem:s26+$0xFFFFFFD0] =	vst v6;
	v4 =	vadd.f32 v4, v0  }
0x35: {  	[tilespmem:s26+$0xFFFFFFE0] =	vst v7;
	v2 =	vadd.f32 v2, v0  }
0x36: {  	[tilespmem:s26+$0xFFFFFFF0] =	vst v4;
	v1 =	vadd.f32 v1, v0  }
0x37: {  	[tilespmem:s26+$0x0] =	vst v2;
	v2 =	vadd.f32 v3, v0  }
0x38: {  	v0 =	vadd.f32 v5, v0;
	[tilespmem:s26+$0x10] =	vst v1  }
0x39: {  	[tilespmem:s26+$0x20] =	vst v2  }
0x3a: {  	[tilespmem:s26+$0xFFFFFFC0] =	vst v0  }
0x3b: {  	s29 =	simm.s32 $0xF0;
	v0 =	vld [tilespmem:s25+$0x10080]  }
0x3c: {  	v3 =	vld [tilespmem:s29+$0x0]  }
0x3d: {  	v5 =	vld [tilespmem:s29+$0xFFFFFFA0]  }
0x3e: {  	v7 =	vld [tilespmem:s29+$0xFFFFFFB0]  }
0x3f: {  	v4 =	vld [tilespmem:s29+$0xFFFFFFC0]  }
0x40: {  	v2 =	vld [tilespmem:s29+$0xFFFFFFD0]  }
0x41: {  	v1 =	vld [tilespmem:s29+$0xFFFFFFE0];
	v8 =	vadd.f32 v3, v0  }
0x42: {  	s26 =	simm.s32 $0x80F0;
	v3 =	vld [tilespmem:s29+$0xFFFFFFF0];
	v6 =	vadd.f32 v5, v0  }
0x43: {  	s28 =	simm.s32 $0x0;
	v5 =	vld [tilespmem:s29+$0xFFFFFF90];
	v7 =	vadd.f32 v7, v0;
	s29 =	simm.s32 $0x4F0;
	[tilespmem:s26+$0x0] =	vst v8  }
.LBB2_5:
0x44: {  	v8 =	vld [tilespmem:s29+$0x0];
	s28 =	sadd.s32 $0x8, s28;
	[tilespmem:s26+$0xFFFFFFA0] =	vst v6;
	v4 =	vadd.f32 v4, v0  }
0x45: {  	v6 =	vld [tilespmem:s29+$0xFFFFFFA0];
	p1 =	slt.u32 s28, $0x78;
	[tilespmem:s26+$0xFFFFFFB0] =	vst v7;
	v2 =	vadd.f32 v2, v0  }
0x46: {  	v7 =	vld [tilespmem:s29+$0xFFFFFFB0];
	[tilespmem:s26+$0xFFFFFFC0] =	vst v4;
	v1 =	vadd.f32 v1, v0  }
.Ltmp3:
0x47: {  	v4 =	vld [tilespmem:s29+$0xFFFFFFC0];
	[tilespmem:s26+$0xFFFFFFD0] =	vst v2;
	v3 =	vadd.f32 v3, v0;
	(pc) =	sbr.rel @p1 .LBB2_5-.Ltmp3, $4  }
0x48: {  	v2 =	vld [tilespmem:s29+$0xFFFFFFD0];
	v5 =	vadd.f32 v5, v0;
	[tilespmem:s26+$0xFFFFFFE0] =	vst v1  }
0x49: {  	v1 =	vld [tilespmem:s29+$0xFFFFFFE0];
	v8 =	vadd.f32 v8, v0;
	[tilespmem:s26+$0xFFFFFFF0] =	vst v3  }
0x4a: {  	v6 =	vadd.f32 v6, v0;
	v3 =	vld [tilespmem:s29+$0xFFFFFFF0];
	[tilespmem:s26+$0xFFFFFF90] =	vst v5;
	s26 =	sadd.s32 $0x400, s26  }
0x4b: {  	v5 =	vld [tilespmem:s29+$0xFFFFFF90];
	v7 =	vadd.f32 v7, v0;
	[tilespmem:s26+$0x0] =	vst v8;
	s29 =	sadd.s32 $0x400, s29  }
0x4c: {  	[tilespmem:s26+$0xFFFFFFA0] =	vst v6;
	v4 =	vadd.f32 v4, v0  }
0x4d: {  	[tilespmem:s26+$0xFFFFFFB0] =	vst v7;
	v2 =	vadd.f32 v2, v0  }
0x4e: {  	[tilespmem:s26+$0xFFFFFFC0] =	vst v4;
	v1 =	vadd.f32 v1, v0  }
0x4f: {  	[tilespmem:s26+$0xFFFFFFD0] =	vst v2;
	v2 =	vadd.f32 v3, v0  }
0x50: {  	v0 =	vadd.f32 v5, v0;
	[tilespmem:s26+$0xFFFFFFE0] =	vst v1  }
0x51: {  	[tilespmem:s26+$0xFFFFFFF0] =	vst v2  }
0x52: {  	[tilespmem:s26+$0xFFFFFF90] =	vst v0  }
0x53: {  	s29 =	simm.s32 $0x170;
	v0 =	vld [tilespmem:s25+$0x10100]  }
0x54: {  	v3 =	vld [tilespmem:s29+$0x0]  }
0x55: {  	v5 =	vld [tilespmem:s29+$0xFFFFFFA0]  }
0x56: {  	v7 =	vld [tilespmem:s29+$0xFFFFFFB0]  }
0x57: {  	v4 =	vld [tilespmem:s29+$0xFFFFFFC0]  }
0x58: {  	v2 =	vld [tilespmem:s29+$0xFFFFFFD0]  }
0x59: {  	v1 =	vld [tilespmem:s29+$0xFFFFFFE0];
	v8 =	vadd.f32 v3, v0  }
0x5a: {  	s26 =	simm.s32 $0x8170;
	v3 =	vld [tilespmem:s29+$0xFFFFFFF0];
	v6 =	vadd.f32 v5, v0  }
0x5b: {  	s28 =	simm.s32 $0x0;
	v5 =	vld [tilespmem:s29+$0xFFFFFF90];
	v7 =	vadd.f32 v7, v0;
	s29 =	simm.s32 $0x570;
	[tilespmem:s26+$0x0] =	vst v8  }
.LBB2_7:
0x5c: {  	v8 =	vld [tilespmem:s29+$0x0];
	s28 =	sadd.s32 $0x8, s28;
	[tilespmem:s26+$0xFFFFFFA0] =	vst v6;
	v4 =	vadd.f32 v4, v0  }
0x5d: {  	v6 =	vld [tilespmem:s29+$0xFFFFFFA0];
	p1 =	slt.u32 s28, $0x78;
	[tilespmem:s26+$0xFFFFFFB0] =	vst v7;
	v2 =	vadd.f32 v2, v0  }
0x5e: {  	v7 =	vld [tilespmem:s29+$0xFFFFFFB0];
	[tilespmem:s26+$0xFFFFFFC0] =	vst v4;
	v1 =	vadd.f32 v1, v0  }
.Ltmp4:
0x5f: {  	v4 =	vld [tilespmem:s29+$0xFFFFFFC0];
	[tilespmem:s26+$0xFFFFFFD0] =	vst v2;
	v3 =	vadd.f32 v3, v0;
	(pc) =	sbr.rel @p1 .LBB2_7-.Ltmp4, $4  }
0x60: {  	v2 =	vld [tilespmem:s29+$0xFFFFFFD0];
	v5 =	vadd.f32 v5, v0;
	[tilespmem:s26+$0xFFFFFFE0] =	vst v1  }
0x61: {  	v1 =	vld [tilespmem:s29+$0xFFFFFFE0];
	v8 =	vadd.f32 v8, v0;
	[tilespmem:s26+$0xFFFFFFF0] =	vst v3  }
0x62: {  	v6 =	vadd.f32 v6, v0;
	v3 =	vld [tilespmem:s29+$0xFFFFFFF0];
	[tilespmem:s26+$0xFFFFFF90] =	vst v5;
	s26 =	sadd.s32 $0x400, s26  }
0x63: {  	v5 =	vld [tilespmem:s29+$0xFFFFFF90];
	v7 =	vadd.f32 v7, v0;
	[tilespmem:s26+$0x0] =	vst v8;
	s29 =	sadd.s32 $0x400, s29  }
0x64: {  	[tilespmem:s26+$0xFFFFFFA0] =	vst v6;
	v4 =	vadd.f32 v4, v0  }
0x65: {  	[tilespmem:s26+$0xFFFFFFB0] =	vst v7;
	v2 =	vadd.f32 v2, v0  }
0x66: {  	[tilespmem:s26+$0xFFFFFFC0] =	vst v4;
	v1 =	vadd.f32 v1, v0  }
0x67: {  	[tilespmem:s26+$0xFFFFFFD0] =	vst v2;
	v2 =	vadd.f32 v3, v0  }
0x68: {  	v0 =	vadd.f32 v5, v0;
	[tilespmem:s26+$0xFFFFFFE0] =	vst v1  }
0x69: {  	[tilespmem:s26+$0xFFFFFFF0] =	vst v2  }
0x6a: {  	[tilespmem:s26+$0xFFFFFF90] =	vst v0  }
0x6b: {  	s29 =	simm.s32 $0x1F0;
	v0 =	vld [tilespmem:s25+$0x10180]  }
0x6c: {  	v3 =	vld [tilespmem:s29+$0x0]  }
0x6d: {  	v5 =	vld [tilespmem:s29+$0xFFFFFFA0]  }
0x6e: {  	v7 =	vld [tilespmem:s29+$0xFFFFFFB0]  }
0x6f: {  	v4 =	vld [tilespmem:s29+$0xFFFFFFC0]  }
0x70: {  	v2 =	vld [tilespmem:s29+$0xFFFFFFD0]  }
0x71: {  	v1 =	vld [tilespmem:s29+$0xFFFFFFE0];
	v8 =	vadd.f32 v3, v0  }
0x72: {  	s26 =	simm.s32 $0x81F0;
	v3 =	vld [tilespmem:s29+$0xFFFFFFF0];
	v6 =	vadd.f32 v5, v0  }
0x73: {  	s28 =	simm.s32 $0x0;
	v5 =	vld [tilespmem:s29+$0xFFFFFF90];
	v7 =	vadd.f32 v7, v0;
	s29 =	simm.s32 $0x5F0;
	[tilespmem:s26+$0x0] =	vst v8  }
.LBB2_9:
0x74: {  	v8 =	vld [tilespmem:s29+$0x0];
	s28 =	sadd.s32 $0x8, s28;
	[tilespmem:s26+$0xFFFFFFA0] =	vst v6;
	v4 =	vadd.f32 v4, v0  }
0x75: {  	v6 =	vld [tilespmem:s29+$0xFFFFFFA0];
	p1 =	slt.u32 s28, $0x78;
	[tilespmem:s26+$0xFFFFFFB0] =	vst v7;
	v2 =	vadd.f32 v2, v0  }
0x76: {  	v7 =	vld [tilespmem:s29+$0xFFFFFFB0];
	[tilespmem:s26+$0xFFFFFFC0] =	vst v4;
	v1 =	vadd.f32 v1, v0  }
.Ltmp5:
0x77: {  	v4 =	vld [tilespmem:s29+$0xFFFFFFC0];
	[tilespmem:s26+$0xFFFFFFD0] =	vst v2;
	v3 =	vadd.f32 v3, v0;
	(pc) =	sbr.rel @p1 .LBB2_9-.Ltmp5, $4  }
0x78: {  	v2 =	vld [tilespmem:s29+$0xFFFFFFD0];
	v5 =	vadd.f32 v5, v0;
	[tilespmem:s26+$0xFFFFFFE0] =	vst v1  }
0x79: {  	v1 =	vld [tilespmem:s29+$0xFFFFFFE0];
	v8 =	vadd.f32 v8, v0;
	[tilespmem:s26+$0xFFFFFFF0] =	vst v3  }
0x7a: {  	v6 =	vadd.f32 v6, v0;
	v3 =	vld [tilespmem:s29+$0xFFFFFFF0];
	[tilespmem:s26+$0xFFFFFF90] =	vst v5;
	s26 =	sadd.s32 $0x400, s26  }
0x7b: {  	v5 =	vld [tilespmem:s29+$0xFFFFFF90];
	v7 =	vadd.f32 v7, v0;
	[tilespmem:s26+$0x0] =	vst v8;
	s29 =	sadd.s32 $0x400, s29  }
0x7c: {  	[tilespmem:s26+$0xFFFFFFA0] =	vst v6;
	v4 =	vadd.f32 v4, v0  }
0x7d: {  	[tilespmem:s26+$0xFFFFFFB0] =	vst v7;
	v2 =	vadd.f32 v2, v0  }
0x7e: {  	[tilespmem:s26+$0xFFFFFFC0] =	vst v4;
	v1 =	vadd.f32 v1, v0  }
0x7f: {  	[tilespmem:s26+$0xFFFFFFD0] =	vst v2;
	v2 =	vadd.f32 v3, v0  }
0x80: {  	v0 =	vadd.f32 v5, v0;
	[tilespmem:s26+$0xFFFFFFE0] =	vst v1  }
0x81: {  	[tilespmem:s26+$0xFFFFFFF0] =	vst v2  }
0x82: {  	[tilespmem:s26+$0xFFFFFF90] =	vst v0  }
0x83: {  	s29 =	simm.s32 $0x270;
	v0 =	vld [tilespmem:s25+$0x10200]  }
0x84: {  	v3 =	vld [tilespmem:s29+$0x0]  }
0x85: {  	v5 =	vld [tilespmem:s29+$0xFFFFFFA0]  }
0x86: {  	v7 =	vld [tilespmem:s29+$0xFFFFFFB0]  }
0x87: {  	v4 =	vld [tilespmem:s29+$0xFFFFFFC0]  }
0x88: {  	v2 =	vld [tilespmem:s29+$0xFFFFFFD0]  }
0x89: {  	v1 =	vld [tilespmem:s29+$0xFFFFFFE0];
	v8 =	vadd.f32 v3, v0  }
0x8a: {  	s26 =	simm.s32 $0x8270;
	v3 =	vld [tilespmem:s29+$0xFFFFFFF0];
	v6 =	vadd.f32 v5, v0  }
0x8b: {  	s28 =	simm.s32 $0x0;
	v5 =	vld [tilespmem:s29+$0xFFFFFF90];
	v7 =	vadd.f32 v7, v0;
	s29 =	simm.s32 $0x670;
	[tilespmem:s26+$0x0] =	vst v8  }
.LBB2_11:
0x8c: {  	v8 =	vld [tilespmem:s29+$0x0];
	s28 =	sadd.s32 $0x8, s28;
	[tilespmem:s26+$0xFFFFFFA0] =	vst v6;
	v4 =	vadd.f32 v4, v0  }
0x8d: {  	v6 =	vld [tilespmem:s29+$0xFFFFFFA0];
	p1 =	slt.u32 s28, $0x78;
	[tilespmem:s26+$0xFFFFFFB0] =	vst v7;
	v2 =	vadd.f32 v2, v0  }
0x8e: {  	v7 =	vld [tilespmem:s29+$0xFFFFFFB0];
	[tilespmem:s26+$0xFFFFFFC0] =	vst v4;
	v1 =	vadd.f32 v1, v0  }
.Ltmp6:
0x8f: {  	v4 =	vld [tilespmem:s29+$0xFFFFFFC0];
	[tilespmem:s26+$0xFFFFFFD0] =	vst v2;
	v3 =	vadd.f32 v3, v0;
	(pc) =	sbr.rel @p1 .LBB2_11-.Ltmp6, $4  }
0x90: {  	v2 =	vld [tilespmem:s29+$0xFFFFFFD0];
	v5 =	vadd.f32 v5, v0;
	[tilespmem:s26+$0xFFFFFFE0] =	vst v1  }
0x91: {  	v1 =	vld [tilespmem:s29+$0xFFFFFFE0];
	v8 =	vadd.f32 v8, v0;
	[tilespmem:s26+$0xFFFFFFF0] =	vst v3  }
0x92: {  	v6 =	vadd.f32 v6, v0;
	v3 =	vld [tilespmem:s29+$0xFFFFFFF0];
	[tilespmem:s26+$0xFFFFFF90] =	vst v5;
	s26 =	sadd.s32 $0x400, s26  }
0x93: {  	v5 =	vld [tilespmem:s29+$0xFFFFFF90];
	v7 =	vadd.f32 v7, v0;
	[tilespmem:s26+$0x0] =	vst v8;
	s29 =	sadd.s32 $0x400, s29  }
0x94: {  	[tilespmem:s26+$0xFFFFFFA0] =	vst v6;
	v4 =	vadd.f32 v4, v0  }
0x95: {  	[tilespmem:s26+$0xFFFFFFB0] =	vst v7;
	v2 =	vadd.f32 v2, v0  }
0x96: {  	[tilespmem:s26+$0xFFFFFFC0] =	vst v4;
	v1 =	vadd.f32 v1, v0  }
0x97: {  	[tilespmem:s26+$0xFFFFFFD0] =	vst v2;
	v2 =	vadd.f32 v3, v0  }
0x98: {  	v0 =	vadd.f32 v5, v0;
	[tilespmem:s26+$0xFFFFFFE0] =	vst v1  }
0x99: {  	[tilespmem:s26+$0xFFFFFFF0] =	vst v2  }
0x9a: {  	[tilespmem:s26+$0xFFFFFF90] =	vst v0  }
0x9b: {  	s29 =	simm.s32 $0x2F0;
	v0 =	vld [tilespmem:s25+$0x10280]  }
0x9c: {  	v3 =	vld [tilespmem:s29+$0x0]  }
0x9d: {  	v5 =	vld [tilespmem:s29+$0xFFFFFFA0]  }
0x9e: {  	v7 =	vld [tilespmem:s29+$0xFFFFFFB0]  }
0x9f: {  	v4 =	vld [tilespmem:s29+$0xFFFFFFC0]  }
0xa0: {  	v2 =	vld [tilespmem:s29+$0xFFFFFFD0]  }
0xa1: {  	v1 =	vld [tilespmem:s29+$0xFFFFFFE0];
	v8 =	vadd.f32 v3, v0  }
0xa2: {  	s26 =	simm.s32 $0x82F0;
	v3 =	vld [tilespmem:s29+$0xFFFFFFF0];
	v6 =	vadd.f32 v5, v0  }
0xa3: {  	s28 =	simm.s32 $0x0;
	v5 =	vld [tilespmem:s29+$0xFFFFFF90];
	v7 =	vadd.f32 v7, v0;
	s29 =	simm.s32 $0x6F0;
	[tilespmem:s26+$0x0] =	vst v8  }
.LBB2_13:
0xa4: {  	v8 =	vld [tilespmem:s29+$0x0];
	s28 =	sadd.s32 $0x8, s28;
	[tilespmem:s26+$0xFFFFFFA0] =	vst v6;
	v4 =	vadd.f32 v4, v0  }
0xa5: {  	v6 =	vld [tilespmem:s29+$0xFFFFFFA0];
	p1 =	slt.u32 s28, $0x78;
	[tilespmem:s26+$0xFFFFFFB0] =	vst v7;
	v2 =	vadd.f32 v2, v0  }
0xa6: {  	v7 =	vld [tilespmem:s29+$0xFFFFFFB0];
	[tilespmem:s26+$0xFFFFFFC0] =	vst v4;
	v1 =	vadd.f32 v1, v0  }
.Ltmp7:
0xa7: {  	v4 =	vld [tilespmem:s29+$0xFFFFFFC0];
	[tilespmem:s26+$0xFFFFFFD0] =	vst v2;
	v3 =	vadd.f32 v3, v0;
	(pc) =	sbr.rel @p1 .LBB2_13-.Ltmp7, $4  }
0xa8: {  	v2 =	vld [tilespmem:s29+$0xFFFFFFD0];
	v5 =	vadd.f32 v5, v0;
	[tilespmem:s26+$0xFFFFFFE0] =	vst v1  }
0xa9: {  	v1 =	vld [tilespmem:s29+$0xFFFFFFE0];
	v8 =	vadd.f32 v8, v0;
	[tilespmem:s26+$0xFFFFFFF0] =	vst v3  }
0xaa: {  	v6 =	vadd.f32 v6, v0;
	v3 =	vld [tilespmem:s29+$0xFFFFFFF0];
	[tilespmem:s26+$0xFFFFFF90] =	vst v5;
	s26 =	sadd.s32 $0x400, s26  }
0xab: {  	v5 =	vld [tilespmem:s29+$0xFFFFFF90];
	v7 =	vadd.f32 v7, v0;
	[tilespmem:s26+$0x0] =	vst v8;
	s29 =	sadd.s32 $0x400, s29  }
0xac: {  	[tilespmem:s26+$0xFFFFFFA0] =	vst v6;
	v4 =	vadd.f32 v4, v0  }
0xad: {  	[tilespmem:s26+$0xFFFFFFB0] =	vst v7;
	v2 =	vadd.f32 v2, v0  }
0xae: {  	[tilespmem:s26+$0xFFFFFFC0] =	vst v4;
	v1 =	vadd.f32 v1, v0  }
0xaf: {  	[tilespmem:s26+$0xFFFFFFD0] =	vst v2;
	v2 =	vadd.f32 v3, v0  }
0xb0: {  	v0 =	vadd.f32 v5, v0;
	[tilespmem:s26+$0xFFFFFFE0] =	vst v1  }
0xb1: {  	[tilespmem:s26+$0xFFFFFFF0] =	vst v2  }
0xb2: {  	[tilespmem:s26+$0xFFFFFF90] =	vst v0  }
0xb3: {  	s29 =	simm.s32 $0x370;
	v0 =	vld [tilespmem:s25+$0x10300]  }
0xb4: {  	v3 =	vld [tilespmem:s29+$0x0]  }
0xb5: {  	v5 =	vld [tilespmem:s29+$0xFFFFFFA0]  }
0xb6: {  	v7 =	vld [tilespmem:s29+$0xFFFFFFB0]  }
0xb7: {  	v4 =	vld [tilespmem:s29+$0xFFFFFFC0]  }
0xb8: {  	v2 =	vld [tilespmem:s29+$0xFFFFFFD0]  }
0xb9: {  	v1 =	vld [tilespmem:s29+$0xFFFFFFE0];
	v8 =	vadd.f32 v3, v0  }
0xba: {  	s26 =	simm.s32 $0x8370;
	v3 =	vld [tilespmem:s29+$0xFFFFFFF0];
	v6 =	vadd.f32 v5, v0  }
0xbb: {  	s28 =	simm.s32 $0x0;
	v5 =	vld [tilespmem:s29+$0xFFFFFF90];
	v7 =	vadd.f32 v7, v0;
	s29 =	simm.s32 $0x770;
	[tilespmem:s26+$0x0] =	vst v8  }
.LBB2_15:
0xbc: {  	v8 =	vld [tilespmem:s29+$0x0];
	s28 =	sadd.s32 $0x8, s28;
	[tilespmem:s26+$0xFFFFFFA0] =	vst v6;
	v4 =	vadd.f32 v4, v0  }
0xbd: {  	v6 =	vld [tilespmem:s29+$0xFFFFFFA0];
	p1 =	slt.u32 s28, $0x78;
	[tilespmem:s26+$0xFFFFFFB0] =	vst v7;
	v2 =	vadd.f32 v2, v0  }
0xbe: {  	v7 =	vld [tilespmem:s29+$0xFFFFFFB0];
	[tilespmem:s26+$0xFFFFFFC0] =	vst v4;
	v1 =	vadd.f32 v1, v0  }
.Ltmp8:
0xbf: {  	v4 =	vld [tilespmem:s29+$0xFFFFFFC0];
	[tilespmem:s26+$0xFFFFFFD0] =	vst v2;
	v3 =	vadd.f32 v3, v0;
	(pc) =	sbr.rel @p1 .LBB2_15-.Ltmp8, $4  }
0xc0: {  	v2 =	vld [tilespmem:s29+$0xFFFFFFD0];
	v5 =	vadd.f32 v5, v0;
	[tilespmem:s26+$0xFFFFFFE0] =	vst v1  }
0xc1: {  	v1 =	vld [tilespmem:s29+$0xFFFFFFE0];
	v8 =	vadd.f32 v8, v0;
	[tilespmem:s26+$0xFFFFFFF0] =	vst v3  }
0xc2: {  	v6 =	vadd.f32 v6, v0;
	v3 =	vld [tilespmem:s29+$0xFFFFFFF0];
	[tilespmem:s26+$0xFFFFFF90] =	vst v5;
	s26 =	sadd.s32 $0x400, s26  }
0xc3: {  	v5 =	vld [tilespmem:s29+$0xFFFFFF90];
	v7 =	vadd.f32 v7, v0;
	[tilespmem:s26+$0x0] =	vst v8;
	s29 =	sadd.s32 $0x400, s29  }
0xc4: {  	[tilespmem:s26+$0xFFFFFFA0] =	vst v6;
	v4 =	vadd.f32 v4, v0  }
0xc5: {  	[tilespmem:s26+$0xFFFFFFB0] =	vst v7;
	v2 =	vadd.f32 v2, v0  }
0xc6: {  	[tilespmem:s26+$0xFFFFFFC0] =	vst v4;
	v1 =	vadd.f32 v1, v0  }
0xc7: {  	[tilespmem:s26+$0xFFFFFFD0] =	vst v2;
	v2 =	vadd.f32 v3, v0  }
0xc8: {  	v0 =	vadd.f32 v5, v0;
	[tilespmem:s26+$0xFFFFFFE0] =	vst v1  }
0xc9: {  	[tilespmem:s26+$0xFFFFFFF0] =	vst v2  }
0xca: {  	[tilespmem:s26+$0xFFFFFF90] =	vst v0  }
0xcb: {  	s29 =	simm.s32 $0x3F0;
	v0 =	vld [tilespmem:s25+$0x10380]  }
0xcc: {  	v3 =	vld [tilespmem:s29+$0x0]  }
0xcd: {  	v5 =	vld [tilespmem:s29+$0xFFFFFFA0]  }
0xce: {  	v7 =	vld [tilespmem:s29+$0xFFFFFFB0]  }
0xcf: {  	v4 =	vld [tilespmem:s29+$0xFFFFFFC0]  }
0xd0: {  	v2 =	vld [tilespmem:s29+$0xFFFFFFD0]  }
0xd1: {  	v1 =	vld [tilespmem:s29+$0xFFFFFFE0];
	v8 =	vadd.f32 v3, v0  }
0xd2: {  	s28 =	simm.s32 $0x83F0;
	v3 =	vld [tilespmem:s29+$0xFFFFFFF0];
	v6 =	vadd.f32 v5, v0  }
0xd3: {  	s26 =	simm.s32 $0x0;
	v5 =	vld [tilespmem:s29+$0xFFFFFF90];
	v7 =	vadd.f32 v7, v0;
	s29 =	simm.s32 $0x7F0;
	[tilespmem:s28+$0x0] =	vst v8  }
.LBB2_17:
0xd4: {  	v8 =	vld [tilespmem:s29+$0x0];
	s26 =	sadd.s32 $0x8, s26;
	[tilespmem:s28+$0xFFFFFFA0] =	vst v6;
	v4 =	vadd.f32 v4, v0  }
0xd5: {  	v6 =	vld [tilespmem:s29+$0xFFFFFFA0];
	p1 =	slt.u32 s26, $0x78;
	[tilespmem:s28+$0xFFFFFFB0] =	vst v7;
	v2 =	vadd.f32 v2, v0  }
0xd6: {  	v7 =	vld [tilespmem:s29+$0xFFFFFFB0];
	[tilespmem:s28+$0xFFFFFFC0] =	vst v4;
	v1 =	vadd.f32 v1, v0  }
.Ltmp9:
0xd7: {  	v4 =	vld [tilespmem:s29+$0xFFFFFFC0];
	[tilespmem:s28+$0xFFFFFFD0] =	vst v2;
	v3 =	vadd.f32 v3, v0;
	(pc) =	sbr.rel @p1 .LBB2_17-.Ltmp9, $4  }
0xd8: {  	v2 =	vld [tilespmem:s29+$0xFFFFFFD0];
	v5 =	vadd.f32 v5, v0;
	[tilespmem:s28+$0xFFFFFFE0] =	vst v1  }
0xd9: {  	v1 =	vld [tilespmem:s29+$0xFFFFFFE0];
	v8 =	vadd.f32 v8, v0;
	[tilespmem:s28+$0xFFFFFFF0] =	vst v3  }
0xda: {  	v6 =	vadd.f32 v6, v0;
	v3 =	vld [tilespmem:s29+$0xFFFFFFF0];
	[tilespmem:s28+$0xFFFFFF90] =	vst v5;
	s28 =	sadd.s32 $0x400, s28  }
0xdb: {  	v5 =	vld [tilespmem:s29+$0xFFFFFF90];
	v7 =	vadd.f32 v7, v0;
	[tilespmem:s28+$0x0] =	vst v8;
	s29 =	sadd.s32 $0x400, s29  }
0xdc: {  	[tilespmem:s28+$0xFFFFFFA0] =	vst v6;
	v4 =	vadd.f32 v4, v0  }
0xdd: {  	[tilespmem:s28+$0xFFFFFFB0] =	vst v7;
	v2 =	vadd.f32 v2, v0  }
0xde: {  	p1 =	sne.s32 s24, $0x31;
	[tilespmem:s28+$0xFFFFFFC0] =	vst v4;
	v1 =	vadd.f32 v1, v0  }
.Ltmp10:
0xdf: {  	[tilespmem:s28+$0xFFFFFFD0] =	vst v2;
	v62 =	vadd.f32 v3, v0;
	(pc) =	sbr.rel @p1 .LBB2_20-.Ltmp10, $4  }
0xe0: {  	s26 =	sadd.s32 s8, s24;
	v63 =	vadd.f32 v5, v0;
	[tilespmem:s28+$0xFFFFFFE0] =	vst v1  }
0xe1: {  	s26 =	sshll.u32 s26, $0xC;
	[tilespmem:s28+$0xFFFFFFF0] =	vst v62  }
0xe2: {  	s31 =	sadd.s32 s3, s26;
	[tilespmem:s28+$0xFFFFFF90] =	vst v63  }
0xe3: {  	[hbm4b:s31+s4] =	stream.linear.scatter [tilespmem:s18], [sflag:$0x4], $0x4000, $0x38;
	[tilespmem:$0x1C800] =	vst v63  }
.Ltmp11:
0xe4: {  	(pc) =	sbr.rel .LBB2_21-.Ltmp11, $4  }
0xe5: {  	_ = 	snop  }
0xe6: {  	_ =	swait.ge [sflag:s19], $0x4000  }
0xe7: {  	[sflag:s19] =	ssyncset.done $0x0  }
0xe8: {  	[sflag:s19] =	ssyncadd.s32 $0xFFFFC000  }
.LBB2_20:
0xe9: {  	s28 =	sshll.u32 s24, $0xF  }
0xea: {  	s28 =	sadd.s32 s28, s10  }
0xeb: {  	s28 =	sshrl.u32 s28, $0x3  }
.Ltmp12:
0xec: {  	s28 =	sadd.s32 s1, s28;
	(pc) =	sbr.rel @p0 .LBB2_22-.Ltmp12, $4  }
0xed: {  	[tilespmem:s4], [sflag:$0x2] =	stream.linear.gather [hbm4b:s28+s4], $0x4000, $0x38;
	[tilespmem:$0x1C800] =	vst v63  }
0xee: {  	_ =	swait.ge [sflag:s19], $0x4000  }
0xef: {  	[sflag:s19] =	ssyncset.done $0x0  }
0xf0: {  	[sflag:s19] =	ssyncadd.s32 $0xFFFFC000  }
.LBB2_21:
0xf1: {  	_ =	swait.ge [sflag:s20], $0x4000  }
0xf2: {  	[sflag:s20] =	ssyncset.done $0x0  }
0xf3: {  	[sflag:s20] =	ssyncadd.s32 $0xFFFFC000  }
.LBB2_22:
0xf4: {  	v0 =	vld [tilespmem:s25+$0x10000];
	s30 =	simm.s32 $0x4040  }
0xf5: {  	v3 =	vld [tilespmem:s30+$0x30]  }
0xf6: {  	v5 =	vld [tilespmem:s30+$0xFFFFFFD0]  }
0xf7: {  	v7 =	vld [tilespmem:s30+$0xFFFFFFE0]  }
0xf8: {  	v4 =	vld [tilespmem:s30+$0xFFFFFFF0]  }
0xf9: {  	v2 =	vld [tilespmem:s30+$0x0]  }
0xfa: {  	v1 =	vld [tilespmem:s30+$0x10];
	v8 =	vadd.f32 v3, v0  }
0xfb: {  	s28 =	simm.s32 $0xC040;
	v3 =	vld [tilespmem:s30+$0x20];
	v6 =	vadd.f32 v5, v0  }
0xfc: {  	s29 =	simm.s32 $0x0;
	v5 =	vld [tilespmem:s30+$0xFFFFFFC0];
	v7 =	vadd.f32 v7, v0;
	s30 =	simm.s32 $0x4440;
	[tilespmem:s28+$0x30] =	vst v8  }
.LBB2_23:
0xfd: {  	v8 =	vld [tilespmem:s30+$0x30];
	s29 =	sadd.s32 $0x8, s29;
	[tilespmem:s28+$0xFFFFFFD0] =	vst v6;
	v4 =	vadd.f32 v4, v0  }
0xfe: {  	v6 =	vld [tilespmem:s30+$0xFFFFFFD0];
	p0 =	slt.u32 s29, $0x78;
	[tilespmem:s28+$0xFFFFFFE0] =	vst v7;
	v2 =	vadd.f32 v2, v0  }
0xff: {  	v7 =	vld [tilespmem:s30+$0xFFFFFFE0];
	[tilespmem:s28+$0xFFFFFFF0] =	vst v4;
	v1 =	vadd.f32 v1, v0  }
.Ltmp13:
0x100: {  	v4 =	vld [tilespmem:s30+$0xFFFFFFF0];
	[tilespmem:s28+$0x0] =	vst v2;
	v3 =	vadd.f32 v3, v0;
	(pc) =	sbr.rel @p0 .LBB2_23-.Ltmp13, $4  }
0x101: {  	v2 =	vld [tilespmem:s30+$0x0];
	v5 =	vadd.f32 v5, v0;
	[tilespmem:s28+$0x10] =	vst v1  }
0x102: {  	v1 =	vld [tilespmem:s30+$0x10];
	v8 =	vadd.f32 v8, v0;
	[tilespmem:s28+$0x20] =	vst v3  }
0x103: {  	v6 =	vadd.f32 v6, v0;
	v3 =	vld [tilespmem:s30+$0x20];
	[tilespmem:s28+$0xFFFFFFC0] =	vst v5;
	s28 =	sadd.s32 $0x400, s28  }
0x104: {  	v5 =	vld [tilespmem:s30+$0xFFFFFFC0];
	v7 =	vadd.f32 v7, v0;
	[tilespmem:s28+$0x30] =	vst v8;
	s30 =	sadd.s32 $0x400, s30  }
0x105: {  	[tilespmem:s28+$0xFFFFFFD0] =	vst v6;
	v4 =	vadd.f32 v4, v0  }
0x106: {  	[tilespmem:s28+$0xFFFFFFE0] =	vst v7;
	v2 =	vadd.f32 v2, v0  }
0x107: {  	[tilespmem:s28+$0xFFFFFFF0] =	vst v4;
	v1 =	vadd.f32 v1, v0  }
0x108: {  	[tilespmem:s28+$0x0] =	vst v2;
	v2 =	vadd.f32 v3, v0  }
0x109: {  	v0 =	vadd.f32 v5, v0;
	[tilespmem:s28+$0x10] =	vst v1  }
0x10a: {  	[tilespmem:s28+$0x20] =	vst v2  }
0x10b: {  	[tilespmem:s28+$0xFFFFFFC0] =	vst v0  }
0x10c: {  	s30 =	simm.s32 $0x40F0;
	v0 =	vld [tilespmem:s25+$0x10080]  }
0x10d: {  	v3 =	vld [tilespmem:s30+$0x0]  }
0x10e: {  	v5 =	vld [tilespmem:s30+$0xFFFFFFA0]  }
0x10f: {  	v7 =	vld [tilespmem:s30+$0xFFFFFFB0]  }
0x110: {  	v4 =	vld [tilespmem:s30+$0xFFFFFFC0]  }
0x111: {  	v2 =	vld [tilespmem:s30+$0xFFFFFFD0]  }
0x112: {  	v1 =	vld [tilespmem:s30+$0xFFFFFFE0];
	v8 =	vadd.f32 v3, v0  }
0x113: {  	s28 =	simm.s32 $0xC0F0;
	v3 =	vld [tilespmem:s30+$0xFFFFFFF0];
	v6 =	vadd.f32 v5, v0  }
0x114: {  	s29 =	simm.s32 $0x0;
	v5 =	vld [tilespmem:s30+$0xFFFFFF90];
	v7 =	vadd.f32 v7, v0;
	s30 =	simm.s32 $0x44F0;
	[tilespmem:s28+$0x0] =	vst v8  }
.LBB2_25:
0x115: {  	v8 =	vld [tilespmem:s30+$0x0];
	s29 =	sadd.s32 $0x8, s29;
	[tilespmem:s28+$0xFFFFFFA0] =	vst v6;
	v4 =	vadd.f32 v4, v0  }
0x116: {  	v6 =	vld [tilespmem:s30+$0xFFFFFFA0];
	p0 =	slt.u32 s29, $0x78;
	[tilespmem:s28+$0xFFFFFFB0] =	vst v7;
	v2 =	vadd.f32 v2, v0  }
0x117: {  	v7 =	vld [tilespmem:s30+$0xFFFFFFB0];
	[tilespmem:s28+$0xFFFFFFC0] =	vst v4;
	v1 =	vadd.f32 v1, v0  }
.Ltmp14:
0x118: {  	v4 =	vld [tilespmem:s30+$0xFFFFFFC0];
	[tilespmem:s28+$0xFFFFFFD0] =	vst v2;
	v3 =	vadd.f32 v3, v0;
	(pc) =	sbr.rel @p0 .LBB2_25-.Ltmp14, $4  }
0x119: {  	v2 =	vld [tilespmem:s30+$0xFFFFFFD0];
	v5 =	vadd.f32 v5, v0;
	[tilespmem:s28+$0xFFFFFFE0] =	vst v1  }
0x11a: {  	v1 =	vld [tilespmem:s30+$0xFFFFFFE0];
	v8 =	vadd.f32 v8, v0;
	[tilespmem:s28+$0xFFFFFFF0] =	vst v3  }
0x11b: {  	v6 =	vadd.f32 v6, v0;
	v3 =	vld [tilespmem:s30+$0xFFFFFFF0];
	[tilespmem:s28+$0xFFFFFF90] =	vst v5;
	s28 =	sadd.s32 $0x400, s28  }
0x11c: {  	v5 =	vld [tilespmem:s30+$0xFFFFFF90];
	v7 =	vadd.f32 v7, v0;
	[tilespmem:s28+$0x0] =	vst v8;
	s30 =	sadd.s32 $0x400, s30  }
0x11d: {  	[tilespmem:s28+$0xFFFFFFA0] =	vst v6;
	v4 =	vadd.f32 v4, v0  }
0x11e: {  	[tilespmem:s28+$0xFFFFFFB0] =	vst v7;
	v2 =	vadd.f32 v2, v0  }
0x11f: {  	[tilespmem:s28+$0xFFFFFFC0] =	vst v4;
	v1 =	vadd.f32 v1, v0  }
0x120: {  	[tilespmem:s28+$0xFFFFFFD0] =	vst v2;
	v2 =	vadd.f32 v3, v0  }
0x121: {  	v0 =	vadd.f32 v5, v0;
	[tilespmem:s28+$0xFFFFFFE0] =	vst v1  }
0x122: {  	[tilespmem:s28+$0xFFFFFFF0] =	vst v2  }
0x123: {  	[tilespmem:s28+$0xFFFFFF90] =	vst v0  }
0x124: {  	s30 =	simm.s32 $0x4170;
	v0 =	vld [tilespmem:s25+$0x10100]  }
0x125: {  	v3 =	vld [tilespmem:s30+$0x0]  }
0x126: {  	v5 =	vld [tilespmem:s30+$0xFFFFFFA0]  }
0x127: {  	v7 =	vld [tilespmem:s30+$0xFFFFFFB0]  }
0x128: {  	v4 =	vld [tilespmem:s30+$0xFFFFFFC0]  }
0x129: {  	v2 =	vld [tilespmem:s30+$0xFFFFFFD0]  }
0x12a: {  	v1 =	vld [tilespmem:s30+$0xFFFFFFE0];
	v8 =	vadd.f32 v3, v0  }
0x12b: {  	s28 =	simm.s32 $0xC170;
	v3 =	vld [tilespmem:s30+$0xFFFFFFF0];
	v6 =	vadd.f32 v5, v0  }
0x12c: {  	s29 =	simm.s32 $0x0;
	v5 =	vld [tilespmem:s30+$0xFFFFFF90];
	v7 =	vadd.f32 v7, v0;
	s30 =	simm.s32 $0x4570;
	[tilespmem:s28+$0x0] =	vst v8  }
.LBB2_27:
0x12d: {  	v8 =	vld [tilespmem:s30+$0x0];
	s29 =	sadd.s32 $0x8, s29;
	[tilespmem:s28+$0xFFFFFFA0] =	vst v6;
	v4 =	vadd.f32 v4, v0  }
0x12e: {  	v6 =	vld [tilespmem:s30+$0xFFFFFFA0];
	p0 =	slt.u32 s29, $0x78;
	[tilespmem:s28+$0xFFFFFFB0] =	vst v7;
	v2 =	vadd.f32 v2, v0  }
0x12f: {  	v7 =	vld [tilespmem:s30+$0xFFFFFFB0];
	[tilespmem:s28+$0xFFFFFFC0] =	vst v4;
	v1 =	vadd.f32 v1, v0  }
.Ltmp15:
0x130: {  	v4 =	vld [tilespmem:s30+$0xFFFFFFC0];
	[tilespmem:s28+$0xFFFFFFD0] =	vst v2;
	v3 =	vadd.f32 v3, v0;
	(pc) =	sbr.rel @p0 .LBB2_27-.Ltmp15, $4  }
0x131: {  	v2 =	vld [tilespmem:s30+$0xFFFFFFD0];
	v5 =	vadd.f32 v5, v0;
	[tilespmem:s28+$0xFFFFFFE0] =	vst v1  }
0x132: {  	v1 =	vld [tilespmem:s30+$0xFFFFFFE0];
	v8 =	vadd.f32 v8, v0;
	[tilespmem:s28+$0xFFFFFFF0] =	vst v3  }
0x133: {  	v6 =	vadd.f32 v6, v0;
	v3 =	vld [tilespmem:s30+$0xFFFFFFF0];
	[tilespmem:s28+$0xFFFFFF90] =	vst v5;
	s28 =	sadd.s32 $0x400, s28  }
0x134: {  	v5 =	vld [tilespmem:s30+$0xFFFFFF90];
	v7 =	vadd.f32 v7, v0;
	[tilespmem:s28+$0x0] =	vst v8;
	s30 =	sadd.s32 $0x400, s30  }
0x135: {  	[tilespmem:s28+$0xFFFFFFA0] =	vst v6;
	v4 =	vadd.f32 v4, v0  }
0x136: {  	[tilespmem:s28+$0xFFFFFFB0] =	vst v7;
	v2 =	vadd.f32 v2, v0  }
0x137: {  	[tilespmem:s28+$0xFFFFFFC0] =	vst v4;
	v1 =	vadd.f32 v1, v0  }
0x138: {  	[tilespmem:s28+$0xFFFFFFD0] =	vst v2;
	v2 =	vadd.f32 v3, v0  }
0x139: {  	v0 =	vadd.f32 v5, v0;
	[tilespmem:s28+$0xFFFFFFE0] =	vst v1  }
0x13a: {  	[tilespmem:s28+$0xFFFFFFF0] =	vst v2  }
0x13b: {  	[tilespmem:s28+$0xFFFFFF90] =	vst v0  }
0x13c: {  	s30 =	simm.s32 $0x41F0;
	v0 =	vld [tilespmem:s25+$0x10180]  }
0x13d: {  	v3 =	vld [tilespmem:s30+$0x0]  }
0x13e: {  	v5 =	vld [tilespmem:s30+$0xFFFFFFA0]  }
0x13f: {  	v7 =	vld [tilespmem:s30+$0xFFFFFFB0]  }
0x140: {  	v4 =	vld [tilespmem:s30+$0xFFFFFFC0]  }
0x141: {  	v2 =	vld [tilespmem:s30+$0xFFFFFFD0]  }
0x142: {  	v1 =	vld [tilespmem:s30+$0xFFFFFFE0];
	v8 =	vadd.f32 v3, v0  }
0x143: {  	s28 =	simm.s32 $0xC1F0;
	v3 =	vld [tilespmem:s30+$0xFFFFFFF0];
	v6 =	vadd.f32 v5, v0  }
0x144: {  	s29 =	simm.s32 $0x0;
	v5 =	vld [tilespmem:s30+$0xFFFFFF90];
	v7 =	vadd.f32 v7, v0;
	s30 =	simm.s32 $0x45F0;
	[tilespmem:s28+$0x0] =	vst v8  }
.LBB2_29:
0x145: {  	v8 =	vld [tilespmem:s30+$0x0];
	s29 =	sadd.s32 $0x8, s29;
	[tilespmem:s28+$0xFFFFFFA0] =	vst v6;
	v4 =	vadd.f32 v4, v0  }
0x146: {  	v6 =	vld [tilespmem:s30+$0xFFFFFFA0];
	p0 =	slt.u32 s29, $0x78;
	[tilespmem:s28+$0xFFFFFFB0] =	vst v7;
	v2 =	vadd.f32 v2, v0  }
0x147: {  	v7 =	vld [tilespmem:s30+$0xFFFFFFB0];
	[tilespmem:s28+$0xFFFFFFC0] =	vst v4;
	v1 =	vadd.f32 v1, v0  }
.Ltmp16:
0x148: {  	v4 =	vld [tilespmem:s30+$0xFFFFFFC0];
	[tilespmem:s28+$0xFFFFFFD0] =	vst v2;
	v3 =	vadd.f32 v3, v0;
	(pc) =	sbr.rel @p0 .LBB2_29-.Ltmp16, $4  }
0x149: {  	v2 =	vld [tilespmem:s30+$0xFFFFFFD0];
	v5 =	vadd.f32 v5, v0;
	[tilespmem:s28+$0xFFFFFFE0] =	vst v1  }
0x14a: {  	v1 =	vld [tilespmem:s30+$0xFFFFFFE0];
	v8 =	vadd.f32 v8, v0;
	[tilespmem:s28+$0xFFFFFFF0] =	vst v3  }
0x14b: {  	v6 =	vadd.f32 v6, v0;
	v3 =	vld [tilespmem:s30+$0xFFFFFFF0];
	[tilespmem:s28+$0xFFFFFF90] =	vst v5;
	s28 =	sadd.s32 $0x400, s28  }
0x14c: {  	v5 =	vld [tilespmem:s30+$0xFFFFFF90];
	v7 =	vadd.f32 v7, v0;
	[tilespmem:s28+$0x0] =	vst v8;
	s30 =	sadd.s32 $0x400, s30  }
0x14d: {  	[tilespmem:s28+$0xFFFFFFA0] =	vst v6;
	v4 =	vadd.f32 v4, v0  }
0x14e: {  	[tilespmem:s28+$0xFFFFFFB0] =	vst v7;
	v2 =	vadd.f32 v2, v0  }
0x14f: {  	[tilespmem:s28+$0xFFFFFFC0] =	vst v4;
	v1 =	vadd.f32 v1, v0  }
0x150: {  	[tilespmem:s28+$0xFFFFFFD0] =	vst v2;
	v2 =	vadd.f32 v3, v0  }
0x151: {  	v0 =	vadd.f32 v5, v0;
	[tilespmem:s28+$0xFFFFFFE0] =	vst v1  }
0x152: {  	[tilespmem:s28+$0xFFFFFFF0] =	vst v2  }
0x153: {  	[tilespmem:s28+$0xFFFFFF90] =	vst v0  }
0x154: {  	s30 =	simm.s32 $0x4270;
	v0 =	vld [tilespmem:s25+$0x10200]  }
0x155: {  	v3 =	vld [tilespmem:s30+$0x0]  }
0x156: {  	v5 =	vld [tilespmem:s30+$0xFFFFFFA0]  }
0x157: {  	v7 =	vld [tilespmem:s30+$0xFFFFFFB0]  }
0x158: {  	v4 =	vld [tilespmem:s30+$0xFFFFFFC0]  }
0x159: {  	v2 =	vld [tilespmem:s30+$0xFFFFFFD0]  }
0x15a: {  	v1 =	vld [tilespmem:s30+$0xFFFFFFE0];
	v8 =	vadd.f32 v3, v0  }
0x15b: {  	s28 =	simm.s32 $0xC270;
	v3 =	vld [tilespmem:s30+$0xFFFFFFF0];
	v6 =	vadd.f32 v5, v0  }
0x15c: {  	s29 =	simm.s32 $0x0;
	v5 =	vld [tilespmem:s30+$0xFFFFFF90];
	v7 =	vadd.f32 v7, v0;
	s30 =	simm.s32 $0x4670;
	[tilespmem:s28+$0x0] =	vst v8  }
.LBB2_31:
0x15d: {  	v8 =	vld [tilespmem:s30+$0x0];
	s29 =	sadd.s32 $0x8, s29;
	[tilespmem:s28+$0xFFFFFFA0] =	vst v6;
	v4 =	vadd.f32 v4, v0  }
0x15e: {  	v6 =	vld [tilespmem:s30+$0xFFFFFFA0];
	p0 =	slt.u32 s29, $0x78;
	[tilespmem:s28+$0xFFFFFFB0] =	vst v7;
	v2 =	vadd.f32 v2, v0  }
0x15f: {  	v7 =	vld [tilespmem:s30+$0xFFFFFFB0];
	[tilespmem:s28+$0xFFFFFFC0] =	vst v4;
	v1 =	vadd.f32 v1, v0  }
.Ltmp17:
0x160: {  	v4 =	vld [tilespmem:s30+$0xFFFFFFC0];
	[tilespmem:s28+$0xFFFFFFD0] =	vst v2;
	v3 =	vadd.f32 v3, v0;
	(pc) =	sbr.rel @p0 .LBB2_31-.Ltmp17, $4  }
0x161: {  	v2 =	vld [tilespmem:s30+$0xFFFFFFD0];
	v5 =	vadd.f32 v5, v0;
	[tilespmem:s28+$0xFFFFFFE0] =	vst v1  }
0x162: {  	v1 =	vld [tilespmem:s30+$0xFFFFFFE0];
	v8 =	vadd.f32 v8, v0;
	[tilespmem:s28+$0xFFFFFFF0] =	vst v3  }
0x163: {  	v6 =	vadd.f32 v6, v0;
	v3 =	vld [tilespmem:s30+$0xFFFFFFF0];
	[tilespmem:s28+$0xFFFFFF90] =	vst v5;
	s28 =	sadd.s32 $0x400, s28  }
0x164: {  	v5 =	vld [tilespmem:s30+$0xFFFFFF90];
	v7 =	vadd.f32 v7, v0;
	[tilespmem:s28+$0x0] =	vst v8;
	s30 =	sadd.s32 $0x400, s30  }
0x165: {  	[tilespmem:s28+$0xFFFFFFA0] =	vst v6;
	v4 =	vadd.f32 v4, v0  }
0x166: {  	[tilespmem:s28+$0xFFFFFFB0] =	vst v7;
	v2 =	vadd.f32 v2, v0  }
0x167: {  	[tilespmem:s28+$0xFFFFFFC0] =	vst v4;
	v1 =	vadd.f32 v1, v0  }
0x168: {  	[tilespmem:s28+$0xFFFFFFD0] =	vst v2;
	v2 =	vadd.f32 v3, v0  }
0x169: {  	v0 =	vadd.f32 v5, v0;
	[tilespmem:s28+$0xFFFFFFE0] =	vst v1  }
0x16a: {  	[tilespmem:s28+$0xFFFFFFF0] =	vst v2  }
0x16b: {  	[tilespmem:s28+$0xFFFFFF90] =	vst v0  }
0x16c: {  	s30 =	simm.s32 $0x42F0;
	v0 =	vld [tilespmem:s25+$0x10280]  }
0x16d: {  	v3 =	vld [tilespmem:s30+$0x0]  }
0x16e: {  	v5 =	vld [tilespmem:s30+$0xFFFFFFA0]  }
0x16f: {  	v7 =	vld [tilespmem:s30+$0xFFFFFFB0]  }
0x170: {  	v4 =	vld [tilespmem:s30+$0xFFFFFFC0]  }
0x171: {  	v2 =	vld [tilespmem:s30+$0xFFFFFFD0]  }
0x172: {  	v1 =	vld [tilespmem:s30+$0xFFFFFFE0];
	v8 =	vadd.f32 v3, v0  }
0x173: {  	s28 =	simm.s32 $0xC2F0;
	v3 =	vld [tilespmem:s30+$0xFFFFFFF0];
	v6 =	vadd.f32 v5, v0  }
0x174: {  	s29 =	simm.s32 $0x0;
	v5 =	vld [tilespmem:s30+$0xFFFFFF90];
	v7 =	vadd.f32 v7, v0;
	s30 =	simm.s32 $0x46F0;
	[tilespmem:s28+$0x0] =	vst v8  }
.LBB2_33:
0x175: {  	v8 =	vld [tilespmem:s30+$0x0];
	s29 =	sadd.s32 $0x8, s29;
	[tilespmem:s28+$0xFFFFFFA0] =	vst v6;
	v4 =	vadd.f32 v4, v0  }
0x176: {  	v6 =	vld [tilespmem:s30+$0xFFFFFFA0];
	p0 =	slt.u32 s29, $0x78;
	[tilespmem:s28+$0xFFFFFFB0] =	vst v7;
	v2 =	vadd.f32 v2, v0  }
0x177: {  	v7 =	vld [tilespmem:s30+$0xFFFFFFB0];
	[tilespmem:s28+$0xFFFFFFC0] =	vst v4;
	v1 =	vadd.f32 v1, v0  }
.Ltmp18:
0x178: {  	v4 =	vld [tilespmem:s30+$0xFFFFFFC0];
	[tilespmem:s28+$0xFFFFFFD0] =	vst v2;
	v3 =	vadd.f32 v3, v0;
	(pc) =	sbr.rel @p0 .LBB2_33-.Ltmp18, $4  }
0x179: {  	v2 =	vld [tilespmem:s30+$0xFFFFFFD0];
	v5 =	vadd.f32 v5, v0;
	[tilespmem:s28+$0xFFFFFFE0] =	vst v1  }
0x17a: {  	v1 =	vld [tilespmem:s30+$0xFFFFFFE0];
	v8 =	vadd.f32 v8, v0;
	[tilespmem:s28+$0xFFFFFFF0] =	vst v3  }
0x17b: {  	v6 =	vadd.f32 v6, v0;
	v3 =	vld [tilespmem:s30+$0xFFFFFFF0];
	[tilespmem:s28+$0xFFFFFF90] =	vst v5;
	s28 =	sadd.s32 $0x400, s28  }
0x17c: {  	v5 =	vld [tilespmem:s30+$0xFFFFFF90];
	v7 =	vadd.f32 v7, v0;
	[tilespmem:s28+$0x0] =	vst v8;
	s30 =	sadd.s32 $0x400, s30  }
0x17d: {  	[tilespmem:s28+$0xFFFFFFA0] =	vst v6;
	v4 =	vadd.f32 v4, v0  }
0x17e: {  	[tilespmem:s28+$0xFFFFFFB0] =	vst v7;
	v2 =	vadd.f32 v2, v0  }
0x17f: {  	[tilespmem:s28+$0xFFFFFFC0] =	vst v4;
	v1 =	vadd.f32 v1, v0  }
0x180: {  	[tilespmem:s28+$0xFFFFFFD0] =	vst v2;
	v2 =	vadd.f32 v3, v0  }
0x181: {  	v0 =	vadd.f32 v5, v0;
	[tilespmem:s28+$0xFFFFFFE0] =	vst v1  }
0x182: {  	[tilespmem:s28+$0xFFFFFFF0] =	vst v2  }
0x183: {  	[tilespmem:s28+$0xFFFFFF90] =	vst v0  }
0x184: {  	s30 =	simm.s32 $0x4370;
	v0 =	vld [tilespmem:s25+$0x10300]  }
0x185: {  	v3 =	vld [tilespmem:s30+$0x0]  }
0x186: {  	v5 =	vld [tilespmem:s30+$0xFFFFFFA0]  }
0x187: {  	v7 =	vld [tilespmem:s30+$0xFFFFFFB0]  }
0x188: {  	v4 =	vld [tilespmem:s30+$0xFFFFFFC0]  }
0x189: {  	v2 =	vld [tilespmem:s30+$0xFFFFFFD0]  }
0x18a: {  	v1 =	vld [tilespmem:s30+$0xFFFFFFE0];
	v8 =	vadd.f32 v3, v0  }
0x18b: {  	s28 =	simm.s32 $0xC370;
	v3 =	vld [tilespmem:s30+$0xFFFFFFF0];
	v6 =	vadd.f32 v5, v0  }
0x18c: {  	s29 =	simm.s32 $0x0;
	v5 =	vld [tilespmem:s30+$0xFFFFFF90];
	v7 =	vadd.f32 v7, v0;
	s30 =	simm.s32 $0x4770;
	[tilespmem:s28+$0x0] =	vst v8  }
.LBB2_35:
0x18d: {  	v8 =	vld [tilespmem:s30+$0x0];
	s29 =	sadd.s32 $0x8, s29;
	[tilespmem:s28+$0xFFFFFFA0] =	vst v6;
	v4 =	vadd.f32 v4, v0  }
0x18e: {  	v6 =	vld [tilespmem:s30+$0xFFFFFFA0];
	p0 =	slt.u32 s29, $0x78;
	[tilespmem:s28+$0xFFFFFFB0] =	vst v7;
	v2 =	vadd.f32 v2, v0  }
0x18f: {  	v7 =	vld [tilespmem:s30+$0xFFFFFFB0];
	[tilespmem:s28+$0xFFFFFFC0] =	vst v4;
	v1 =	vadd.f32 v1, v0  }
.Ltmp19:
0x190: {  	v4 =	vld [tilespmem:s30+$0xFFFFFFC0];
	[tilespmem:s28+$0xFFFFFFD0] =	vst v2;
	v3 =	vadd.f32 v3, v0;
	(pc) =	sbr.rel @p0 .LBB2_35-.Ltmp19, $4  }
0x191: {  	v2 =	vld [tilespmem:s30+$0xFFFFFFD0];
	v5 =	vadd.f32 v5, v0;
	[tilespmem:s28+$0xFFFFFFE0] =	vst v1  }
0x192: {  	v1 =	vld [tilespmem:s30+$0xFFFFFFE0];
	v8 =	vadd.f32 v8, v0;
	[tilespmem:s28+$0xFFFFFFF0] =	vst v3  }
0x193: {  	v6 =	vadd.f32 v6, v0;
	v3 =	vld [tilespmem:s30+$0xFFFFFFF0];
	[tilespmem:s28+$0xFFFFFF90] =	vst v5;
	s28 =	sadd.s32 $0x400, s28  }
0x194: {  	v5 =	vld [tilespmem:s30+$0xFFFFFF90];
	v7 =	vadd.f32 v7, v0;
	[tilespmem:s28+$0x0] =	vst v8;
	s30 =	sadd.s32 $0x400, s30  }
0x195: {  	[tilespmem:s28+$0xFFFFFFA0] =	vst v6;
	v4 =	vadd.f32 v4, v0  }
0x196: {  	[tilespmem:s28+$0xFFFFFFB0] =	vst v7;
	v2 =	vadd.f32 v2, v0  }
0x197: {  	[tilespmem:s28+$0xFFFFFFC0] =	vst v4;
	v1 =	vadd.f32 v1, v0  }
0x198: {  	[tilespmem:s28+$0xFFFFFFD0] =	vst v2;
	v2 =	vadd.f32 v3, v0  }
0x199: {  	v0 =	vadd.f32 v5, v0;
	[tilespmem:s28+$0xFFFFFFE0] =	vst v1  }
0x19a: {  	[tilespmem:s28+$0xFFFFFFF0] =	vst v2  }
0x19b: {  	[tilespmem:s28+$0xFFFFFF90] =	vst v0  }
0x19c: {  	s29 =	simm.s32 $0x43F0;
	v0 =	vld [tilespmem:s25+$0x10380]  }
0x19d: {  	v3 =	vld [tilespmem:s29+$0x0]  }
0x19e: {  	v5 =	vld [tilespmem:s29+$0xFFFFFFA0]  }
0x19f: {  	v7 =	vld [tilespmem:s29+$0xFFFFFFB0]  }
0x1a0: {  	v4 =	vld [tilespmem:s29+$0xFFFFFFC0]  }
0x1a1: {  	v2 =	vld [tilespmem:s29+$0xFFFFFFD0]  }
0x1a2: {  	v1 =	vld [tilespmem:s29+$0xFFFFFFE0];
	v8 =	vadd.f32 v3, v0  }
0x1a3: {  	s25 =	simm.s32 $0xC3F0;
	v3 =	vld [tilespmem:s29+$0xFFFFFFF0];
	v6 =	vadd.f32 v5, v0  }
0x1a4: {  	s28 =	simm.s32 $0x0;
	v5 =	vld [tilespmem:s29+$0xFFFFFF90];
	v7 =	vadd.f32 v7, v0;
	s29 =	simm.s32 $0x47F0;
	[tilespmem:s25+$0x0] =	vst v8  }
.LBB2_37:
0x1a5: {  	v8 =	vld [tilespmem:s29+$0x0];
	s28 =	sadd.s32 $0x8, s28;
	[tilespmem:s25+$0xFFFFFFA0] =	vst v6;
	v4 =	vadd.f32 v4, v0  }
0x1a6: {  	v6 =	vld [tilespmem:s29+$0xFFFFFFA0];
	p0 =	slt.u32 s28, $0x78;
	[tilespmem:s25+$0xFFFFFFB0] =	vst v7;
	v2 =	vadd.f32 v2, v0  }
0x1a7: {  	v7 =	vld [tilespmem:s29+$0xFFFFFFB0];
	[tilespmem:s25+$0xFFFFFFC0] =	vst v4;
	v1 =	vadd.f32 v1, v0  }
.Ltmp20:
0x1a8: {  	v4 =	vld [tilespmem:s29+$0xFFFFFFC0];
	[tilespmem:s25+$0xFFFFFFD0] =	vst v2;
	v3 =	vadd.f32 v3, v0;
	(pc) =	sbr.rel @p0 .LBB2_37-.Ltmp20, $4  }
0x1a9: {  	v2 =	vld [tilespmem:s29+$0xFFFFFFD0];
	v5 =	vadd.f32 v5, v0;
	[tilespmem:s25+$0xFFFFFFE0] =	vst v1  }
0x1aa: {  	v1 =	vld [tilespmem:s29+$0xFFFFFFE0];
	v8 =	vadd.f32 v8, v0;
	[tilespmem:s25+$0xFFFFFFF0] =	vst v3  }
0x1ab: {  	v6 =	vadd.f32 v6, v0;
	v3 =	vld [tilespmem:s29+$0xFFFFFFF0];
	[tilespmem:s25+$0xFFFFFF90] =	vst v5;
	s25 =	sadd.s32 $0x400, s25  }
0x1ac: {  	v5 =	vld [tilespmem:s29+$0xFFFFFF90];
	v7 =	vadd.f32 v7, v0;
	[tilespmem:s25+$0x0] =	vst v8;
	s29 =	sadd.s32 $0x400, s29  }
0x1ad: {  	[tilespmem:s25+$0xFFFFFFA0] =	vst v6;
	v4 =	vadd.f32 v4, v0  }
0x1ae: {  	[tilespmem:s25+$0xFFFFFFB0] =	vst v7;
	v2 =	vadd.f32 v2, v0  }
0x1af: {  	p0 =	seq.s32 s24, $0x31;
	[tilespmem:s25+$0xFFFFFFC0] =	vst v4;
	v1 =	vadd.f32 v1, v0  }
.Ltmp21:
0x1b0: {  	[tilespmem:s25+$0xFFFFFFD0] =	vst v2;
	v62 =	vadd.f32 v3, v0;
	(pc) =	sbr.rel @p0 .LBB2_40-.Ltmp21, $4  }
0x1b1: {  	v63 =	vadd.f32 v5, v0;
	[tilespmem:s25+$0xFFFFFFE0] =	vst v1  }
0x1b2: {  	[tilespmem:s25+$0xFFFFFFF0] =	vst v62  }
0x1b3: {  	s31 =	sadd.s32 s26, s11;
	[tilespmem:s25+$0xFFFFFF90] =	vst v63  }
0x1b4: {  	[hbm4b:s31+s4] =	stream.linear.scatter [tilespmem:s21], [sflag:$0x5], $0x4000, $0x38;
	[tilespmem:$0x1C800] =	vst v63  }
.Ltmp22:
0x1b5: {  	(pc) =	sbr.rel .LBB2_2-.Ltmp22, $4  }
0x1b6: {  	s25 =	sadd.s32 s24, s12  }
0x1b7: {  	s25 =	sshll.u32 s25, $0xC  }
0x1b8: {  	s24 =	sadd.s32 $0x1, s24;
	s25 =	sadd.s32 s25, s7  }
0x1b9: {  	[tilespmem:s16], [sflag:$0x3] =	stream.linear.gather [hbm4b:s25+s4], $0x4000, $0x38;
	[tilespmem:$0x1C800] =	vst v63  }
.LBB2_41:
0x1ba: {  	_ =	sfence.sel $0x180000  }
0x1bb: {  	[bflag:$0x0] =	sbarrier.arrive $0xFFFF  }
0x1bc: {  	p0 =	sne.s32 s0, $0x0;
	_ =	strace $0x90000047  }
0x1bd: {  	s0 =	sadd.s32 @!p0 $0x100000, s2;
	[bflag:$0x2] =	sbarrier.arrive $0xFFFF  }
0x1be: {  	[sflag:s0] =	ssyncadd.tile.s32 @!p0 $0x1;
	_ =	shalt  }
.Lfunc_end2:
_tile_overlayer_lowered:
.L_overlay_start_2:
0x1bf: {  	(tag) =	ssettag $0x2  }
0x1c0: {  	s0 =	rddreg [dreg:$0x0];
	s2 =	stileid.u32  }
0x1c1: {  	s1 =	rddreg [dreg:$0x1];
	p0 =	sne.s32 s2, $0x0  }
0x1c2: {  	s3 =	rddreg [dreg:$0x2];
	[bflag:$0x3] =	sbarrier.arrive $0xFFFF;
	s2 =	simm.s32 @!p0 $0x1C06  }
0x1c3: {  	[timem:s3], [sflag:s2] =	dma.local @!p0 [hbm:s0], s1  }
0x1c4: {  	s0 =	simm.s32 @!p0 $0x6  }
0x1c5: {  	_ =	swait.ge @!p0 [sflag:s0], s1  }
0x1c6: {  	s1 =	ssub.s32 @!p0 $0x0, s1;
	[sflag:s0] =	ssyncset.done @!p0 $0x0  }
0x1c7: {  	[sflag:s0] =	ssyncadd.s32 @!p0 s1  }
0x1c8: {  	[bflag:$0x3] =	sbarrier.arrive $0xFFFF  }
0x1c9: {  	_ =	shalt  }

</sc_bundles>
